<compile_context>
chip_gen: v7x
topology: tpu7x:2x2x1
jax: 0.10.2.dev20260603
libtpu: 0.0.44.dev20260713+nightly
codegen_flags: <defaults>
</compile_context>

<pallas_src>
import functools

import jax
import jax.numpy as jnp
from jax import lax
from jax.experimental import pallas as pl
from jax.experimental.pallas import tpu as pltpu
from jax.experimental.pallas import tpu_sc as plsc


def _transform_body(x_ref, w_ref, b_ref, o_ref):
    x = x_ref[...]
    nrm = jnp.sqrt(jnp.sum(x * x, axis=1, keepdims=True))
    y = jnp.minimum(nrm, 1.0 - 1e-7)
    artanh = 0.5 * jnp.log((1.0 + y) / (1.0 - y))
    t = x * (artanh / jnp.maximum(nrm, 1e-15))
    o_ref[...] = (
        lax.dot_general(t, w_ref[...], (((1,), (1,)), ((), ())),
                        preferred_element_type=jnp.float32)
        + b_ref[...]
    )


def _transform(x, w, b, block_n):
    n, d_in = x.shape
    d_out = w.shape[0]
    return pl.pallas_call(
        _transform_body,
        grid=(n // block_n,),
        in_specs=[
            pl.BlockSpec((block_n, d_in), lambda i: (i, 0)),
            pl.BlockSpec((d_out, d_in), lambda i: (0, 0)),
            pl.BlockSpec((1, d_out), lambda i: (0, 0)),
        ],
        out_specs=pl.BlockSpec((block_n, d_out), lambda i: (i, 0)),
        out_shape=jax.ShapeDtypeStruct((n, d_out), jnp.float32),
    )(x, w, b.reshape(1, d_out))


def _make_seg_sum(n, n_pad, d, nw, n_chunks, chunk):
    mesh = plsc.VectorSubcoreMesh(core_axis_name="c", subcore_axis_name="s")
    ns = 16
    npt = (n_pad // ns) // 8 * 8
    remz = n_pad - ns * npt
    remo = n - ns * npt

    nbuf = 2
    nring = 4
    assert n_chunks % nring == 0 and nring == 2 * nbuf

    @functools.partial(
        pl.kernel,
        mesh=mesh,
        out_type=(
            jax.ShapeDtypeStruct((2, n, d), jnp.float32),
            jax.ShapeDtypeStruct((2, n_pad), jnp.float32),
        ),
        scratch_types=[
            pltpu.VMEM_SHARED((n_pad, d), jnp.float32),
            pltpu.VMEM_SHARED((n_pad,), jnp.float32),
            pltpu.VMEM((nring, chunk), jnp.int32),
            pltpu.VMEM((n_chunks, chunk), jnp.int32),
        ]
        + [pltpu.VMEM((chunk, d), jnp.float32) for _ in range(nbuf)]
        + [pltpu.VMEM((128,), jnp.float32)]
        + [pltpu.SemaphoreType.DMA for _ in range(nbuf + 1 + nring)],
    )
    def seg_sum(t_hbm, src_hbm, dst_hbm, z2d_hbm, z1d_hbm,
                agg_hbm, cnt_hbm,
                acc_sh, cnt_sh, sring_v, didx_v, *bufs_ones_sems):
        rows = bufs_ones_sems[:nbuf]
        ones_v = bufs_ones_sems[nbuf]
        gsems = bufs_ones_sems[nbuf + 1:nbuf + 1 + nbuf]
        csem = bufs_ones_sems[nbuf + 1 + nbuf]
        isems = bufs_ones_sems[nbuf + 2 + nbuf:]
        cc = lax.axis_index("c")
        s = lax.axis_index("s")
        wid = cc * ns + s

        pltpu.sync_copy(dst_hbm.at[wid], didx_v)

        pltpu.sync_copy(z2d_hbm.at[pl.ds(s * npt, npt)],
                        acc_sh.at[pl.ds(s * npt, npt)])

        @pl.when(s == 0)
        def _():
            pltpu.sync_copy(z1d_hbm, cnt_sh)
            if remz:
                pltpu.sync_copy(z2d_hbm.at[pl.ds(ns * npt, remz)],
                                acc_sh.at[pl.ds(ns * npt, remz)])

        for i in range(8):
            ones_v[pl.ds(i * 16, 16)] = jnp.full((16,), 1.0, jnp.float32)

        plsc.subcore_barrier()

        for k in range(nring):
            pltpu.async_copy(src_hbm.at[wid, k, pl.ds(0, chunk)],
                             sring_v.at[k], isems[k])
        for b in range(nbuf):
            pltpu.make_async_copy(src_hbm.at[wid, b, pl.ds(0, chunk)],
                                  sring_v.at[b], isems[b]).wait()
            pltpu.async_copy(t_hbm.at[sring_v.at[b]], rows[b], gsems[b])

        def body(it, carry):
            for u in range(nring):
                jj = it * nring + u
                b = u % nbuf

                pltpu.make_async_copy(t_hbm.at[sring_v.at[u]],
                                      rows[b], gsems[b]).wait()
                pltpu.sync_copy(rows[b], acc_sh.at[didx_v.at[jj]], add=True)

                @pl.when(jj + nbuf < n_chunks)
                def _():
                    u2 = (u + nbuf) % nring
                    pltpu.make_async_copy(src_hbm.at[wid, 0, pl.ds(0, chunk)],
                                          sring_v.at[u2], isems[u2]).wait()
                    pltpu.async_copy(t_hbm.at[sring_v.at[u2]],
                                     rows[b], gsems[b])

                pltpu.async_copy(ones_v.at[pl.ds(0, chunk)],
                                 cnt_sh.at[didx_v.at[jj]], csem, add=True)

                @pl.when(jj + nring < n_chunks)
                def _():
                    pltpu.async_copy(src_hbm.at[wid, jj + nring,
                                                pl.ds(0, chunk)],
                                     sring_v.at[u], isems[u])

            return carry

        lax.fori_loop(0, n_chunks // nring, body, 0)

        def drain(j, carry):
            pltpu.make_async_copy(ones_v.at[pl.ds(0, chunk)],
                                  cnt_sh.at[didx_v.at[0]], csem).wait()
            return carry

        lax.fori_loop(0, n_chunks, drain, 0)

        plsc.subcore_barrier()

        pltpu.sync_copy(acc_sh.at[pl.ds(s * npt, npt)],
                        agg_hbm.at[cc, pl.ds(s * npt, npt)])

        @pl.when(s == 0)
        def _():
            pltpu.sync_copy(cnt_sh, cnt_hbm.at[cc])
            if remo:
                pltpu.sync_copy(acc_sh.at[pl.ds(ns * npt, remo)],
                                agg_hbm.at[cc, pl.ds(ns * npt, remo)])

    return seg_sum


def _finalize_body(block_n, agg_ref, cnt_ref, o_ref):
    a = agg_ref[0] + agg_ref[1]
    c = cnt_ref[...]
    csum = jnp.sum(c, axis=1, keepdims=True)
    neigh = a / jnp.maximum(csum, 1.0)
    nrm = jnp.sqrt(jnp.sum(neigh * neigh, axis=1, keepdims=True))
    o_ref[...] = jnp.tanh(nrm) * neigh / jnp.maximum(nrm, 1e-15)


def _finalize(agg, cnt, block_n):
    _, n, d = agg.shape
    return pl.pallas_call(
        functools.partial(_finalize_body, block_n),
        grid=(n // block_n,),
        in_specs=[
            pl.BlockSpec((2, block_n, d), lambda i: (0, i, 0)),
            pl.BlockSpec((block_n, 2), lambda i: (i, 0)),
        ],
        out_specs=pl.BlockSpec((block_n, d), lambda i: (i, 0)),
        out_shape=jax.ShapeDtypeStruct((n, d), jnp.float32),
    )(agg, cnt)


def kernel(x, edge_index, W, b):
    n, d_in = x.shape
    d_out = W.shape[0]
    e = edge_index.shape[1]

    nw = 32
    chunk = 125
    n_pad = n
    epw = e // nw
    n_chunks = epw // chunk
    assert epw * nw == e and n_chunks * chunk == epw

    transformed = _transform(x, W, b, block_n=1000)

    src = jnp.pad(edge_index[0].reshape(nw, n_chunks, chunk),
                  ((0, 0), (0, 0), (0, 128 - chunk)))
    dst = edge_index[1].reshape(nw, n_chunks, chunk)
    z2d = jnp.zeros((n_pad, d_out), jnp.float32)
    z1d = jnp.zeros((n_pad,), jnp.float32)

    seg_sum = _make_seg_sum(n, n_pad, d_out, nw, n_chunks, chunk)
    agg, cnt = seg_sum(transformed, src, dst, z2d, z1d)

    return _finalize(agg, cnt.T, block_n=1000)

# --- scband reference (transcript-rebuilt; emitter-appended) ---
"""Pipeline reference for scband-hyperbolic-graph-conv-30124900614684 (READ-ONLY COPY).

The authoritative reference and input builder live on the scoring server;
editing this copy changes nothing except your own understanding.
"""

import jax, jax.numpy as jnp
import numpy as np

N = 10000
E = 320000
D_IN = 128
D_OUT = 128


def _artanh(y):
    y = jnp.clip(y, -1.0 + 1e-7, 1.0 - 1e-7)
    return 0.5 * jnp.log((1.0 + y) / (1.0 - y))


def _logmap0(x):
    # Poincare ball (c=1) log map at the origin
    norm = jnp.linalg.norm(x, axis=-1, keepdims=True)
    norm_safe = jnp.maximum(norm, 1e-15)
    return _artanh(norm) * x / norm_safe


def _expmap0(v):
    # Poincare ball (c=1) exp map at the origin
    norm = jnp.linalg.norm(v, axis=-1, keepdims=True)
    norm_safe = jnp.maximum(norm, 1e-15)
    return jnp.tanh(norm) * v / norm_safe


def setup_inputs(seed: int = 0) -> dict:
    key = jax.random.key(seed)
    k1, k2, k3 = jax.random.split(key, 3)
    x = jax.random.uniform(k1, (N, D_IN), dtype=jnp.float32)
    # project strictly inside the unit Poincare ball
    x = 0.5 * x / (1.0 + jnp.linalg.norm(x, axis=-1, keepdims=True))
    edge_index = jax.random.randint(k2, (2, E), 0, N, dtype=jnp.int32)
    W = jax.random.normal(k3, (D_OUT, D_IN), dtype=jnp.float32) * (1.0 / np.sqrt(D_IN))
    b = jnp.zeros((D_OUT,), dtype=jnp.float32)
    return {"x": x, "edge_index": edge_index, "W": W, "b": b}


def reference(x, edge_index, W, b):
    # logmap to tangent space at origin
    tangent_x = _logmap0(x)
    # linear layer
    transformed = tangent_x @ W.T + b
    # message passing: copy_u('h','m') + mean('m','neigh')
    src = edge_index[0]
    dst = edge_index[1]
    msgs = jnp.take(transformed, src, axis=0)
    agg = jax.ops.segment_sum(msgs, dst, num_segments=N)
    cnt = jax.ops.segment_sum(jnp.ones((E,), dtype=x.dtype), dst, num_segments=N)
    neigh = agg / jnp.maximum(cnt, 1.0)[:, None]
    # expmap back to the manifold
    return _expmap0(neigh)

if __name__ == "__main__":
    import jax
    _d = setup_inputs()
    print(jax.jit(kernel)(*tuple(_d.values())))

</pallas_src>

<mosaic_0001>
#map = affine_map<(d0, d1) -> (0, 0)>
#map1 = affine_map<(d0, d1) -> (0, 0, 0)>
#map2 = affine_map<(d0, d1) -> (0)>
module attributes {stable_mosaic.version = 14 : i64} {
  func.func @seg_sum(%arg0: i32, %arg1: i32, %arg2: memref<10000x128xf32, #tpu.memory_space<hbm>>, %arg3: memref<32x80x128xi32, #tpu.memory_space<hbm>>, %arg4: memref<32x80x125xi32, #tpu.memory_space<hbm>>, %arg5: memref<10000x128xf32, #tpu.memory_space<hbm>>, %arg6: memref<10000xf32, #tpu.memory_space<hbm>>, %arg7: memref<2x10000x128xf32, #tpu.memory_space<hbm>>, %arg8: memref<2x10000xf32, #tpu.memory_space<hbm>>, %arg9: memref<10000x128xf32, #tpu.memory_space<vmem_shared>>, %arg10: memref<10000xf32, #tpu.memory_space<vmem_shared>>, %arg11: memref<4x125xi32, #tpu.memory_space<vmem>>, %arg12: memref<80x125xi32, #tpu.memory_space<vmem>>, %arg13: memref<125x128xf32, #tpu.memory_space<vmem>>, %arg14: memref<125x128xf32, #tpu.memory_space<vmem>>, %arg15: memref<128xf32, #tpu.memory_space<vmem>>, %arg16: memref<!tpu.dma_semaphore, #tpu.memory_space<semaphore_mem>>, %arg17: memref<!tpu.dma_semaphore, #tpu.memory_space<semaphore_mem>>, %arg18: memref<!tpu.dma_semaphore, #tpu.memory_space<semaphore_mem>>, %arg19: memref<!tpu.dma_semaphore, #tpu.memory_space<semaphore_mem>>, %arg20: memref<!tpu.dma_semaphore, #tpu.memory_space<semaphore_mem>>, %arg21: memref<!tpu.dma_semaphore, #tpu.memory_space<semaphore_mem>>, %arg22: memref<!tpu.dma_semaphore, #tpu.memory_space<semaphore_mem>>) attributes {dimension_semantics = [#tpu.dimension_semantics<core_parallel>, #tpu.dimension_semantics<subcore_parallel>], iteration_bounds = array<i64: 2, 16>, scalar_prefetch = 0 : i64, scratch_operands = 14 : i64, tpu.core_type = #tpu.core_type<sc_vector_subcore>, window_params = [{transform_indices = #map}, {transform_indices = #map1}, {transform_indices = #map1}, {transform_indices = #map}, {transform_indices = #map2}, {transform_indices = #map1}, {transform_indices = #map}]} {
    %mul3A = arith.constant 16 : i32
    %mul3A_0 = arith.muli %arg0, %mul3A : i32
    %add3A = arith.addi %mul3A_0, %arg1 : i32
    "tpu.region"() ({
      %run_scoped3A = tpu.sem_alloc : memref<!tpu.dma_semaphore, #tpu.memory_space<semaphore_mem>>
      %dma_start3A_170 = arith.constant 0 : i32
      %dma_start3A_171 = arith.constant 0 : i32
      %dma_start3A_172 = tpu.memref_slice %arg4[%add3A, %dma_start3A_170, %dma_start3A_171] : memref<32x80x125xi32, #tpu.memory_space<hbm>> -> memref<1x80x125xi32, #tpu.memory_space<hbm>>
      %dma_start3A_173 = tpu.memref_squeeze %dma_start3A_172 : memref<1x80x125xi32, #tpu.memory_space<hbm>> -> memref<80x125xi32, #tpu.memory_space<hbm>>
      %dma_start3A_174 = arith.constant 0 : i32
      %dma_start3A_175 = arith.constant 0 : i32
      %dma_start3A_176 = tpu.memref_slice %arg4[%add3A, %dma_start3A_174, %dma_start3A_175] : memref<32x80x125xi32, #tpu.memory_space<hbm>> -> memref<1x80x125xi32, #tpu.memory_space<hbm>>
      %dma_start3A_177 = tpu.memref_squeeze %dma_start3A_176 : memref<1x80x125xi32, #tpu.memory_space<hbm>> -> memref<80x125xi32, #tpu.memory_space<hbm>>
      tpu.enqueue_dma source(%dma_start3A_177 : memref<80x125xi32, #tpu.memory_space<hbm>>) target(%arg12 : memref<80x125xi32, #tpu.memory_space<vmem>>) target_semaphore(%run_scoped3A : memref<!tpu.dma_semaphore, #tpu.memory_space<semaphore_mem>>)
      %dma_wait3A_178 = arith.constant 0 : i32
      %dma_wait3A_179 = arith.constant 0 : i32
      %dma_wait3A_180 = tpu.memref_slice %arg4[%add3A, %dma_wait3A_178, %dma_wait3A_179] : memref<32x80x125xi32, #tpu.memory_space<hbm>> -> memref<1x80x125xi32, #tpu.memory_space<hbm>>
      %dma_wait3A_181 = tpu.memref_squeeze %dma_wait3A_180 : memref<1x80x125xi32, #tpu.memory_space<hbm>> -> memref<80x125xi32, #tpu.memory_space<hbm>>
      %dma_wait3A_182 = arith.constant 0 : i32
      %dma_wait3A_183 = arith.constant 0 : i32
      %dma_wait3A_184 = tpu.memref_slice %arg4[%add3A, %dma_wait3A_182, %dma_wait3A_183] : memref<32x80x125xi32, #tpu.memory_space<hbm>> -> memref<1x80x125xi32, #tpu.memory_space<hbm>>
      %dma_wait3A_185 = tpu.memref_squeeze %dma_wait3A_184 : memref<1x80x125xi32, #tpu.memory_space<hbm>> -> memref<80x125xi32, #tpu.memory_space<hbm>>
      tpu.wait_dma2 semaphore(%run_scoped3A : memref<!tpu.dma_semaphore, #tpu.memory_space<semaphore_mem>>) src(%dma_wait3A_185 : memref<80x125xi32, #tpu.memory_space<hbm>>) dst(%arg12 : memref<80x125xi32, #tpu.memory_space<vmem>>)
      tpu.yield
    }) : () -> ()
    %mul3A_1 = arith.constant 624 : i32
    %mul3A_2 = arith.muli %arg1, %mul3A_1 : i32
    %mul3A_3 = arith.constant 624 : i32
    %mul3A_4 = arith.muli %arg1, %mul3A_3 : i32
    "tpu.region"() ({
      %run_scoped3A = tpu.sem_alloc : memref<!tpu.dma_semaphore, #tpu.memory_space<semaphore_mem>>
      %dma_start3A_170 = arith.constant 0 : i32
      %dma_start3A_171 = tpu.memref_slice %arg9[%mul3A_4, %dma_start3A_170] : memref<10000x128xf32, #tpu.memory_space<vmem_shared>> -> memref<624x128xf32, #tpu.memory_space<vmem_shared>>
      %dma_start3A_172 = arith.constant 0 : i32
      %dma_start3A_173 = tpu.memref_slice %arg5[%mul3A_2, %dma_start3A_172] : memref<10000x128xf32, #tpu.memory_space<hbm>> -> memref<624x128xf32, #tpu.memory_space<hbm>>
      tpu.enqueue_dma source(%dma_start3A_173 : memref<624x128xf32, #tpu.memory_space<hbm>>) target(%dma_start3A_171 : memref<624x128xf32, #tpu.memory_space<vmem_shared>>) target_semaphore(%run_scoped3A : memref<!tpu.dma_semaphore, #tpu.memory_space<semaphore_mem>>)
      %dma_wait3A_174 = arith.constant 0 : i32
      %dma_wait3A_175 = tpu.memref_slice %arg9[%mul3A_4, %dma_wait3A_174] : memref<10000x128xf32, #tpu.memory_space<vmem_shared>> -> memref<624x128xf32, #tpu.memory_space<vmem_shared>>
      %dma_wait3A_176 = arith.constant 0 : i32
      %dma_wait3A_177 = tpu.memref_slice %arg5[%mul3A_2, %dma_wait3A_176] : memref<10000x128xf32, #tpu.memory_space<hbm>> -> memref<624x128xf32, #tpu.memory_space<hbm>>
      tpu.wait_dma2 semaphore(%run_scoped3A : memref<!tpu.dma_semaphore, #tpu.memory_space<semaphore_mem>>) src(%dma_wait3A_177 : memref<624x128xf32, #tpu.memory_space<hbm>>) dst(%dma_wait3A_175 : memref<624x128xf32, #tpu.memory_space<vmem_shared>>)
      tpu.yield
    }) : () -> ()
    %eq3A = arith.constant 0 : i32
    %eq3A_5 = arith.cmpi eq, %arg1, %eq3A : i32
    %convert_element_type3A = arith.extui %eq3A_5 : i1 to i32
    %cond3A = arith.constant 0 : i32
    %cond3A_6 = arith.cmpi ne, %convert_element_type3A, %cond3A : i32
    scf.if %cond3A_6 {
      "tpu.region"() ({
        %run_scoped3A = tpu.sem_alloc : memref<!tpu.dma_semaphore, #tpu.memory_space<semaphore_mem>>
        tpu.enqueue_dma source(%arg6 : memref<10000xf32, #tpu.memory_space<hbm>>) target(%arg10 : memref<10000xf32, #tpu.memory_space<vmem_shared>>) target_semaphore(%run_scoped3A : memref<!tpu.dma_semaphore, #tpu.memory_space<semaphore_mem>>)
        tpu.wait_dma2 semaphore(%run_scoped3A : memref<!tpu.dma_semaphore, #tpu.memory_space<semaphore_mem>>) src(%arg6 : memref<10000xf32, #tpu.memory_space<hbm>>) dst(%arg10 : memref<10000xf32, #tpu.memory_space<vmem_shared>>)
        tpu.yield
      }) : () -> ()
      "tpu.region"() ({
        %run_scoped3A = tpu.sem_alloc : memref<!tpu.dma_semaphore, #tpu.memory_space<semaphore_mem>>
        %dma_start3A_170 = arith.constant 9984 : i32
        %dma_start3A_171 = arith.constant 0 : i32
        %dma_start3A_172 = tpu.memref_slice %arg9[%dma_start3A_170, %dma_start3A_171] : memref<10000x128xf32, #tpu.memory_space<vmem_shared>> -> memref<16x128xf32, #tpu.memory_space<vmem_shared>>
        %dma_start3A_173 = arith.constant 9984 : i32
        %dma_start3A_174 = arith.constant 0 : i32
        %dma_start3A_175 = tpu.memref_slice %arg5[%dma_start3A_173, %dma_start3A_174] : memref<10000x128xf32, #tpu.memory_space<hbm>> -> memref<16x128xf32, #tpu.memory_space<hbm>>
        tpu.enqueue_dma source(%dma_start3A_175 : memref<16x128xf32, #tpu.memory_space<hbm>>) target(%dma_start3A_172 : memref<16x128xf32, #tpu.memory_space<vmem_shared>>) target_semaphore(%run_scoped3A : memref<!tpu.dma_semaphore, #tpu.memory_space<semaphore_mem>>)
        %dma_wait3A_176 = arith.constant 9984 : i32
        %dma_wait3A_177 = arith.constant 0 : i32
        %dma_wait3A_178 = tpu.memref_slice %arg9[%dma_wait3A_176, %dma_wait3A_177] : memref<10000x128xf32, #tpu.memory_space<vmem_shared>> -> memref<16x128xf32, #tpu.memory_space<vmem_shared>>
        %dma_wait3A_179 = arith.constant 9984 : i32
        %dma_wait3A_180 = arith.constant 0 : i32
        %dma_wait3A_181 = tpu.memref_slice %arg5[%dma_wait3A_179, %dma_wait3A_180] : memref<10000x128xf32, #tpu.memory_space<hbm>> -> memref<16x128xf32, #tpu.memory_space<hbm>>
        tpu.wait_dma2 semaphore(%run_scoped3A : memref<!tpu.dma_semaphore, #tpu.memory_space<semaphore_mem>>) src(%dma_wait3A_181 : memref<16x128xf32, #tpu.memory_space<hbm>>) dst(%dma_wait3A_178 : memref<16x128xf32, #tpu.memory_space<vmem_shared>>)
        tpu.yield
      }) : () -> ()
    } else {
    }
    %broadcast_in_dim3A = arith.constant 1.000000e+00 : f32
    %broadcast_in_dim3A_7 = vector.broadcast %broadcast_in_dim3A : f32 to vector<16xf32>
    %swap3A = arith.constant 0 : index
    %swap3A_8 = tpu.vector_load %arg15[%swap3A] {strides = array<i32>} : memref<128xf32, #tpu.memory_space<vmem>>, vector<16xf32>,
    %swap3A_9 = vector.shape_cast %swap3A_8 : vector<16xf32> to vector<16xf32>
    %swap3A_10 = vector.shape_cast %broadcast_in_dim3A_7 : vector<16xf32> to vector<16xf32>
    tpu.vector_store %arg15[%swap3A], %swap3A_10 {strides = array<i32>} : memref<128xf32, #tpu.memory_space<vmem>>, vector<16xf32>,
    %broadcast_in_dim3A_11 = arith.constant 1.000000e+00 : f32
    %broadcast_in_dim3A_12 = vector.broadcast %broadcast_in_dim3A_11 : f32 to vector<16xf32>
    %swap3A_13 = arith.constant 16 : index
    %swap3A_14 = tpu.vector_load %arg15[%swap3A_13] {strides = array<i32>} : memref<128xf32, #tpu.memory_space<vmem>>, vector<16xf32>,
    %swap3A_15 = vector.shape_cast %swap3A_14 : vector<16xf32> to vector<16xf32>
    %swap3A_16 = vector.shape_cast %broadcast_in_dim3A_12 : vector<16xf32> to vector<16xf32>
    tpu.vector_store %arg15[%swap3A_13], %swap3A_16 {strides = array<i32>} : memref<128xf32, #tpu.memory_space<vmem>>, vector<16xf32>,
    %broadcast_in_dim3A_17 = arith.constant 1.000000e+00 : f32
    %broadcast_in_dim3A_18 = vector.broadcast %broadcast_in_dim3A_17 : f32 to vector<16xf32>
    %swap3A_19 = arith.constant 32 : index
    %swap3A_20 = tpu.vector_load %arg15[%swap3A_19] {strides = array<i32>} : memref<128xf32, #tpu.memory_space<vmem>>, vector<16xf32>,
    %swap3A_21 = vector.shape_cast %swap3A_20 : vector<16xf32> to vector<16xf32>
    %swap3A_22 = vector.shape_cast %broadcast_in_dim3A_18 : vector<16xf32> to vector<16xf32>
    tpu.vector_store %arg15[%swap3A_19], %swap3A_22 {strides = array<i32>} : memref<128xf32, #tpu.memory_space<vmem>>, vector<16xf32>,
    %broadcast_in_dim3A_23 = arith.constant 1.000000e+00 : f32
    %broadcast_in_dim3A_24 = vector.broadcast %broadcast_in_dim3A_23 : f32 to vector<16xf32>
    %swap3A_25 = arith.constant 48 : index
    %swap3A_26 = tpu.vector_load %arg15[%swap3A_25] {strides = array<i32>} : memref<128xf32, #tpu.memory_space<vmem>>, vector<16xf32>,
    %swap3A_27 = vector.shape_cast %swap3A_26 : vector<16xf32> to vector<16xf32>
    %swap3A_28 = vector.shape_cast %broadcast_in_dim3A_24 : vector<16xf32> to vector<16xf32>
    tpu.vector_store %arg15[%swap3A_25], %swap3A_28 {strides = array<i32>} : memref<128xf32, #tpu.memory_space<vmem>>, vector<16xf32>,
    %broadcast_in_dim3A_29 = arith.constant 1.000000e+00 : f32
    %broadcast_in_dim3A_30 = vector.broadcast %broadcast_in_dim3A_29 : f32 to vector<16xf32>
    %swap3A_31 = arith.constant 64 : index
    %swap3A_32 = tpu.vector_load %arg15[%swap3A_31] {strides = array<i32>} : memref<128xf32, #tpu.memory_space<vmem>>, vector<16xf32>,
    %swap3A_33 = vector.shape_cast %swap3A_32 : vector<16xf32> to vector<16xf32>
    %swap3A_34 = vector.shape_cast %broadcast_in_dim3A_30 : vector<16xf32> to vector<16xf32>
    tpu.vector_store %arg15[%swap3A_31], %swap3A_34 {strides = array<i32>} : memref<128xf32, #tpu.memory_space<vmem>>, vector<16xf32>,
    %broadcast_in_dim3A_35 = arith.constant 1.000000e+00 : f32
    %broadcast_in_dim3A_36 = vector.broadcast %broadcast_in_dim3A_35 : f32 to vector<16xf32>
    %swap3A_37 = arith.constant 80 : index
    %swap3A_38 = tpu.vector_load %arg15[%swap3A_37] {strides = array<i32>} : memref<128xf32, #tpu.memory_space<vmem>>, vector<16xf32>,
    %swap3A_39 = vector.shape_cast %swap3A_38 : vector<16xf32> to vector<16xf32>
    %swap3A_40 = vector.shape_cast %broadcast_in_dim3A_36 : vector<16xf32> to vector<16xf32>
    tpu.vector_store %arg15[%swap3A_37], %swap3A_40 {strides = array<i32>} : memref<128xf32, #tpu.memory_space<vmem>>, vector<16xf32>,
    %broadcast_in_dim3A_41 = arith.constant 1.000000e+00 : f32
    %broadcast_in_dim3A_42 = vector.broadcast %broadcast_in_dim3A_41 : f32 to vector<16xf32>
    %swap3A_43 = arith.constant 96 : index
    %swap3A_44 = tpu.vector_load %arg15[%swap3A_43] {strides = array<i32>} : memref<128xf32, #tpu.memory_space<vmem>>, vector<16xf32>,
    %swap3A_45 = vector.shape_cast %swap3A_44 : vector<16xf32> to vector<16xf32>
    %swap3A_46 = vector.shape_cast %broadcast_in_dim3A_42 : vector<16xf32> to vector<16xf32>
    tpu.vector_store %arg15[%swap3A_43], %swap3A_46 {strides = array<i32>} : memref<128xf32, #tpu.memory_space<vmem>>, vector<16xf32>,
    %broadcast_in_dim3A_47 = arith.constant 1.000000e+00 : f32
    %broadcast_in_dim3A_48 = vector.broadcast %broadcast_in_dim3A_47 : f32 to vector<16xf32>
    %swap3A_49 = arith.constant 112 : index
    %swap3A_50 = tpu.vector_load %arg15[%swap3A_49] {strides = array<i32>} : memref<128xf32, #tpu.memory_space<vmem>>, vector<16xf32>,
    %swap3A_51 = vector.shape_cast %swap3A_50 : vector<16xf32> to vector<16xf32>
    %swap3A_52 = vector.shape_cast %broadcast_in_dim3A_48 : vector<16xf32> to vector<16xf32>
    tpu.vector_store %arg15[%swap3A_49], %swap3A_52 {strides = array<i32>} : memref<128xf32, #tpu.memory_space<vmem>>, vector<16xf32>,
    %barrier3A = arith.constant 0 : index
    tpu.barrier barrier_id(%barrier3A)
    %dma_start3A = arith.constant 0 : i32
    %dma_start3A_53 = arith.constant 0 : i32
    %dma_start3A_54 = arith.constant 0 : i32
    %dma_start3A_55 = tpu.memref_slice %arg11[%dma_start3A_53, %dma_start3A_54] : memref<4x125xi32, #tpu.memory_space<vmem>> -> memref<1x125xi32, #tpu.memory_space<vmem>>
    %dma_start3A_56 = tpu.memref_squeeze %dma_start3A_55 : memref<1x125xi32, #tpu.memory_space<vmem>> -> memref<125xi32, #tpu.memory_space<vmem>>
    %dma_start3A_57 = arith.constant 0 : i32
    %dma_start3A_58 = tpu.memref_slice %arg3[%add3A, %dma_start3A, %dma_start3A_57] : memref<32x80x128xi32, #tpu.memory_space<hbm>> -> memref<1x1x125xi32, #tpu.memory_space<hbm>>
    %dma_start3A_59 = tpu.memref_squeeze %dma_start3A_58 : memref<1x1x125xi32, #tpu.memory_space<hbm>> -> memref<125xi32, #tpu.memory_space<hbm>>
    %dma_start3A_60 = arith.constant 0 : i32
    %dma_start3A_61 = tpu.memref_slice %arg11[%dma_start3A_53, %dma_start3A_60] : memref<4x125xi32, #tpu.memory_space<vmem>> -> memref<1x125xi32, #tpu.memory_space<vmem>>
    %dma_start3A_62 = tpu.memref_squeeze %dma_start3A_61 : memref<1x125xi32, #tpu.memory_space<vmem>> -> memref<125xi32, #tpu.memory_space<vmem>>
    %dma_start3A_63 = arith.constant 0 : i32
    %dma_start3A_64 = tpu.memref_slice %arg3[%add3A, %dma_start3A, %dma_start3A_63] : memref<32x80x128xi32, #tpu.memory_space<hbm>> -> memref<1x1x125xi32, #tpu.memory_space<hbm>>
    %dma_start3A_65 = tpu.memref_squeeze %dma_start3A_64 : memref<1x1x125xi32, #tpu.memory_space<hbm>> -> memref<125xi32, #tpu.memory_space<hbm>>
    tpu.enqueue_dma source(%dma_start3A_65 : memref<125xi32, #tpu.memory_space<hbm>>) target(%dma_start3A_62 : memref<125xi32, #tpu.memory_space<vmem>>) target_semaphore(%arg19 : memref<!tpu.dma_semaphore, #tpu.memory_space<semaphore_mem>>)
    %dma_start3A_66 = arith.constant 1 : i32
    %dma_start3A_67 = arith.constant 1 : i32
    %dma_start3A_68 = arith.constant 0 : i32
    %dma_start3A_69 = tpu.memref_slice %arg11[%dma_start3A_67, %dma_start3A_68] : memref<4x125xi32, #tpu.memory_space<vmem>> -> memref<1x125xi32, #tpu.memory_space<vmem>>
    %dma_start3A_70 = tpu.memref_squeeze %dma_start3A_69 : memref<1x125xi32, #tpu.memory_space<vmem>> -> memref<125xi32, #tpu.memory_space<vmem>>
    %dma_start3A_71 = arith.constant 0 : i32
    %dma_start3A_72 = tpu.memref_slice %arg3[%add3A, %dma_start3A_66, %dma_start3A_71] : memref<32x80x128xi32, #tpu.memory_space<hbm>> -> memref<1x1x125xi32, #tpu.memory_space<hbm>>
    %dma_start3A_73 = tpu.memref_squeeze %dma_start3A_72 : memref<1x1x125xi32, #tpu.memory_space<hbm>> -> memref<125xi32, #tpu.memory_space<hbm>>
    %dma_start3A_74 = arith.constant 0 : i32
    %dma_start3A_75 = tpu.memref_slice %arg11[%dma_start3A_67, %dma_start3A_74] : memref<4x125xi32, #tpu.memory_space<vmem>> -> memref<1x125xi32, #tpu.memory_space<vmem>>
    %dma_start3A_76 = tpu.memref_squeeze %dma_start3A_75 : memref<1x125xi32, #tpu.memory_space<vmem>> -> memref<125xi32, #tpu.memory_space<vmem>>
    %dma_start3A_77 = arith.constant 0 : i32
    %dma_start3A_78 = tpu.memref_slice %arg3[%add3A, %dma_start3A_66, %dma_start3A_77] : memref<32x80x128xi32, #tpu.memory_space<hbm>> -> memref<1x1x125xi32, #tpu.memory_space<hbm>>
    %dma_start3A_79 = tpu.memref_squeeze %dma_start3A_78 : memref<1x1x125xi32, #tpu.memory_space<hbm>> -> memref<125xi32, #tpu.memory_space<hbm>>
    tpu.enqueue_dma source(%dma_start3A_79 : memref<125xi32, #tpu.memory_space<hbm>>) target(%dma_start3A_76 : memref<125xi32, #tpu.memory_space<vmem>>) target_semaphore(%arg20 : memref<!tpu.dma_semaphore, #tpu.memory_space<semaphore_mem>>)
    %dma_start3A_80 = arith.constant 2 : i32
    %dma_start3A_81 = arith.constant 2 : i32
    %dma_start3A_82 = arith.constant 0 : i32
    %dma_start3A_83 = tpu.memref_slice %arg11[%dma_start3A_81, %dma_start3A_82] : memref<4x125xi32, #tpu.memory_space<vmem>> -> memref<1x125xi32, #tpu.memory_space<vmem>>
    %dma_start3A_84 = tpu.memref_squeeze %dma_start3A_83 : memref<1x125xi32, #tpu.memory_space<vmem>> -> memref<125xi32, #tpu.memory_space<vmem>>
    %dma_start3A_85 = arith.constant 0 : i32
    %dma_start3A_86 = tpu.memref_slice %arg3[%add3A, %dma_start3A_80, %dma_start3A_85] : memref<32x80x128xi32, #tpu.memory_space<hbm>> -> memref<1x1x125xi32, #tpu.memory_space<hbm>>
    %dma_start3A_87 = tpu.memref_squeeze %dma_start3A_86 : memref<1x1x125xi32, #tpu.memory_space<hbm>> -> memref<125xi32, #tpu.memory_space<hbm>>
    %dma_start3A_88 = arith.constant 0 : i32
    %dma_start3A_89 = tpu.memref_slice %arg11[%dma_start3A_81, %dma_start3A_88] : memref<4x125xi32, #tpu.memory_space<vmem>> -> memref<1x125xi32, #tpu.memory_space<vmem>>
    %dma_start3A_90 = tpu.memref_squeeze %dma_start3A_89 : memref<1x125xi32, #tpu.memory_space<vmem>> -> memref<125xi32, #tpu.memory_space<vmem>>
    %dma_start3A_91 = arith.constant 0 : i32
    %dma_start3A_92 = tpu.memref_slice %arg3[%add3A, %dma_start3A_80, %dma_start3A_91] : memref<32x80x128xi32, #tpu.memory_space<hbm>> -> memref<1x1x125xi32, #tpu.memory_space<hbm>>
    %dma_start3A_93 = tpu.memref_squeeze %dma_start3A_92 : memref<1x1x125xi32, #tpu.memory_space<hbm>> -> memref<125xi32, #tpu.memory_space<hbm>>
    tpu.enqueue_dma source(%dma_start3A_93 : memref<125xi32, #tpu.memory_space<hbm>>) target(%dma_start3A_90 : memref<125xi32, #tpu.memory_space<vmem>>) target_semaphore(%arg21 : memref<!tpu.dma_semaphore, #tpu.memory_space<semaphore_mem>>)
    %dma_start3A_94 = arith.constant 3 : i32
    %dma_start3A_95 = arith.constant 3 : i32
    %dma_start3A_96 = arith.constant 0 : i32
    %dma_start3A_97 = tpu.memref_slice %arg11[%dma_start3A_95, %dma_start3A_96] : memref<4x125xi32, #tpu.memory_space<vmem>> -> memref<1x125xi32, #tpu.memory_space<vmem>>
    %dma_start3A_98 = tpu.memref_squeeze %dma_start3A_97 : memref<1x125xi32, #tpu.memory_space<vmem>> -> memref<125xi32, #tpu.memory_space<vmem>>
    %dma_start3A_99 = arith.constant 0 : i32
    %dma_start3A_100 = tpu.memref_slice %arg3[%add3A, %dma_start3A_94, %dma_start3A_99] : memref<32x80x128xi32, #tpu.memory_space<hbm>> -> memref<1x1x125xi32, #tpu.memory_space<hbm>>
    %dma_start3A_101 = tpu.memref_squeeze %dma_start3A_100 : memref<1x1x125xi32, #tpu.memory_space<hbm>> -> memref<125xi32, #tpu.memory_space<hbm>>
    %dma_start3A_102 = arith.constant 0 : i32
    %dma_start3A_103 = tpu.memref_slice %arg11[%dma_start3A_95, %dma_start3A_102] : memref<4x125xi32, #tpu.memory_space<vmem>> -> memref<1x125xi32, #tpu.memory_space<vmem>>
    %dma_start3A_104 = tpu.memref_squeeze %dma_start3A_103 : memref<1x125xi32, #tpu.memory_space<vmem>> -> memref<125xi32, #tpu.memory_space<vmem>>
    %dma_start3A_105 = arith.constant 0 : i32
    %dma_start3A_106 = tpu.memref_slice %arg3[%add3A, %dma_start3A_94, %dma_start3A_105] : memref<32x80x128xi32, #tpu.memory_space<hbm>> -> memref<1x1x125xi32, #tpu.memory_space<hbm>>
    %dma_start3A_107 = tpu.memref_squeeze %dma_start3A_106 : memref<1x1x125xi32, #tpu.memory_space<hbm>> -> memref<125xi32, #tpu.memory_space<hbm>>
    tpu.enqueue_dma source(%dma_start3A_107 : memref<125xi32, #tpu.memory_space<hbm>>) target(%dma_start3A_104 : memref<125xi32, #tpu.memory_space<vmem>>) target_semaphore(%arg22 : memref<!tpu.dma_semaphore, #tpu.memory_space<semaphore_mem>>)
    %dma_wait3A = arith.constant 0 : i32
    %dma_wait3A_108 = arith.constant 0 : i32
    %dma_wait3A_109 = arith.constant 0 : i32
    %dma_wait3A_110 = tpu.memref_slice %arg11[%dma_wait3A_108, %dma_wait3A_109] : memref<4x125xi32, #tpu.memory_space<vmem>> -> memref<1x125xi32, #tpu.memory_space<vmem>>
    %dma_wait3A_111 = tpu.memref_squeeze %dma_wait3A_110 : memref<1x125xi32, #tpu.memory_space<vmem>> -> memref<125xi32, #tpu.memory_space<vmem>>
    %dma_wait3A_112 = arith.constant 0 : i32
    %dma_wait3A_113 = tpu.memref_slice %arg3[%add3A, %dma_wait3A, %dma_wait3A_112] : memref<32x80x128xi32, #tpu.memory_space<hbm>> -> memref<1x1x125xi32, #tpu.memory_space<hbm>>
    %dma_wait3A_114 = tpu.memref_squeeze %dma_wait3A_113 : memref<1x1x125xi32, #tpu.memory_space<hbm>> -> memref<125xi32, #tpu.memory_space<hbm>>
    %dma_wait3A_115 = arith.constant 0 : i32
    %dma_wait3A_116 = tpu.memref_slice %arg11[%dma_wait3A_108, %dma_wait3A_115] : memref<4x125xi32, #tpu.memory_space<vmem>> -> memref<1x125xi32, #tpu.memory_space<vmem>>
    %dma_wait3A_117 = tpu.memref_squeeze %dma_wait3A_116 : memref<1x125xi32, #tpu.memory_space<vmem>> -> memref<125xi32, #tpu.memory_space<vmem>>
    %dma_wait3A_118 = arith.constant 0 : i32
    %dma_wait3A_119 = tpu.memref_slice %arg3[%add3A, %dma_wait3A, %dma_wait3A_118] : memref<32x80x128xi32, #tpu.memory_space<hbm>> -> memref<1x1x125xi32, #tpu.memory_space<hbm>>
    %dma_wait3A_120 = tpu.memref_squeeze %dma_wait3A_119 : memref<1x1x125xi32, #tpu.memory_space<hbm>> -> memref<125xi32, #tpu.memory_space<hbm>>
    tpu.wait_dma2 semaphore(%arg19 : memref<!tpu.dma_semaphore, #tpu.memory_space<semaphore_mem>>) src(%dma_wait3A_120 : memref<125xi32, #tpu.memory_space<hbm>>) dst(%dma_wait3A_117 : memref<125xi32, #tpu.memory_space<vmem>>)
    %dma_start3A_121 = arith.constant 0 : i32
    %dma_start3A_122 = arith.constant 0 : i32
    %dma_start3A_123 = tpu.memref_slice %arg11[%dma_start3A_121, %dma_start3A_122] : memref<4x125xi32, #tpu.memory_space<vmem>> -> memref<1x125xi32, #tpu.memory_space<vmem>>
    %dma_start3A_124 = tpu.memref_squeeze %dma_start3A_123 : memref<1x125xi32, #tpu.memory_space<vmem>> -> memref<125xi32, #tpu.memory_space<vmem>>
    %dma_start3A_125 = arith.constant 0 : i32
    %dma_start3A_126 = arith.constant 0 : i32
    %dma_start3A_127 = tpu.memref_slice %arg2[%dma_start3A_125, %dma_start3A_126] : memref<10000x128xf32, #tpu.memory_space<hbm>> -> memref<10000x128xf32, #tpu.memory_space<hbm>>
    tpu.enqueue_indirect_dma source(%dma_start3A_127 : memref<10000x128xf32, #tpu.memory_space<hbm>>) target(%arg13 : memref<125x128xf32, #tpu.memory_space<vmem>>) offsets(%dma_start3A_124 : memref<125xi32, #tpu.memory_space<vmem>>) semaphore(%arg16 : memref<!tpu.dma_semaphore, #tpu.memory_space<semaphore_mem>>)
    %dma_wait3A_128 = arith.constant 1 : i32
    %dma_wait3A_129 = arith.constant 1 : i32
    %dma_wait3A_130 = arith.constant 0 : i32
    %dma_wait3A_131 = tpu.memref_slice %arg11[%dma_wait3A_129, %dma_wait3A_130] : memref<4x125xi32, #tpu.memory_space<vmem>> -> memref<1x125xi32, #tpu.memory_space<vmem>>
    %dma_wait3A_132 = tpu.memref_squeeze %dma_wait3A_131 : memref<1x125xi32, #tpu.memory_space<vmem>> -> memref<125xi32, #tpu.memory_space<vmem>>
    %dma_wait3A_133 = arith.constant 0 : i32
    %dma_wait3A_134 = tpu.memref_slice %arg3[%add3A, %dma_wait3A_128, %dma_wait3A_133] : memref<32x80x128xi32, #tpu.memory_space<hbm>> -> memref<1x1x125xi32, #tpu.memory_space<hbm>>
    %dma_wait3A_135 = tpu.memref_squeeze %dma_wait3A_134 : memref<1x1x125xi32, #tpu.memory_space<hbm>> -> memref<125xi32, #tpu.memory_space<hbm>>
    %dma_wait3A_136 = arith.constant 0 : i32
    %dma_wait3A_137 = tpu.memref_slice %arg11[%dma_wait3A_129, %dma_wait3A_136] : memref<4x125xi32, #tpu.memory_space<vmem>> -> memref<1x125xi32, #tpu.memory_space<vmem>>
    %dma_wait3A_138 = tpu.memref_squeeze %dma_wait3A_137 : memref<1x125xi32, #tpu.memory_space<vmem>> -> memref<125xi32, #tpu.memory_space<vmem>>
    %dma_wait3A_139 = arith.constant 0 : i32
    %dma_wait3A_140 = tpu.memref_slice %arg3[%add3A, %dma_wait3A_128, %dma_wait3A_139] : memref<32x80x128xi32, #tpu.memory_space<hbm>> -> memref<1x1x125xi32, #tpu.memory_space<hbm>>
    %dma_wait3A_141 = tpu.memref_squeeze %dma_wait3A_140 : memref<1x1x125xi32, #tpu.memory_space<hbm>> -> memref<125xi32, #tpu.memory_space<hbm>>
    tpu.wait_dma2 semaphore(%arg20 : memref<!tpu.dma_semaphore, #tpu.memory_space<semaphore_mem>>) src(%dma_wait3A_141 : memref<125xi32, #tpu.memory_space<hbm>>) dst(%dma_wait3A_138 : memref<125xi32, #tpu.memory_space<vmem>>)
    %dma_start3A_142 = arith.constant 1 : i32
    %dma_start3A_143 = arith.constant 0 : i32
    %dma_start3A_144 = tpu.memref_slice %arg11[%dma_start3A_142, %dma_start3A_143] : memref<4x125xi32, #tpu.memory_space<vmem>> -> memref<1x125xi32, #tpu.memory_space<vmem>>
    %dma_start3A_145 = tpu.memref_squeeze %dma_start3A_144 : memref<1x125xi32, #tpu.memory_space<vmem>> -> memref<125xi32, #tpu.memory_space<vmem>>
    %dma_start3A_146 = arith.constant 0 : i32
    %dma_start3A_147 = arith.constant 0 : i32
    %dma_start3A_148 = tpu.memref_slice %arg2[%dma_start3A_146, %dma_start3A_147] : memref<10000x128xf32, #tpu.memory_space<hbm>> -> memref<10000x128xf32, #tpu.memory_space<hbm>>
    tpu.enqueue_indirect_dma source(%dma_start3A_148 : memref<10000x128xf32, #tpu.memory_space<hbm>>) target(%arg14 : memref<125x128xf32, #tpu.memory_space<vmem>>) offsets(%dma_start3A_145 : memref<125xi32, #tpu.memory_space<vmem>>) semaphore(%arg17 : memref<!tpu.dma_semaphore, #tpu.memory_space<semaphore_mem>>)
    %scan3A = arith.constant 0 : i32
    %scan3A_149 = arith.constant 0 : i32
    %scan3A_150 = arith.constant 20 : i32
    %scan3A_151 = arith.addi %scan3A_149, %scan3A_150 : i32
    %scan3A_152 = arith.constant 1 : i32
    scf.for %scan3A_170 = %scan3A_149 to %scan3A_151 step %scan3A_152  : i32 {
      %mul3A_171 = arith.constant 4 : i32
      %mul3A_172 = arith.muli %scan3A_170, %mul3A_171 : i32
      %add3A_173 = arith.constant 0 : i32
      %add3A_174 = arith.addi %mul3A_172, %add3A_173 : i32
      %dma_wait3A_175 = arith.constant 0 : i32
      %dma_wait3A_176 = arith.constant 0 : i32
      %dma_wait3A_177 = tpu.memref_slice %arg11[%dma_wait3A_175, %dma_wait3A_176] : memref<4x125xi32, #tpu.memory_space<vmem>> -> memref<1x125xi32, #tpu.memory_space<vmem>>
      %dma_wait3A_178 = tpu.memref_squeeze %dma_wait3A_177 : memref<1x125xi32, #tpu.memory_space<vmem>> -> memref<125xi32, #tpu.memory_space<vmem>>
      %dma_wait3A_179 = arith.constant 0 : i32
      %dma_wait3A_180 = arith.constant 0 : i32
      %dma_wait3A_181 = tpu.memref_slice %arg2[%dma_wait3A_179, %dma_wait3A_180] : memref<10000x128xf32, #tpu.memory_space<hbm>> -> memref<10000x128xf32, #tpu.memory_space<hbm>>
      tpu.wait_indirect_dma semaphore(%arg16 : memref<!tpu.dma_semaphore, #tpu.memory_space<semaphore_mem>>) src(%dma_wait3A_181 : memref<10000x128xf32, #tpu.memory_space<hbm>>) dst(%arg13 : memref<125x128xf32, #tpu.memory_space<vmem>>)
      "tpu.region"() ({
        %run_scoped3A = tpu.sem_alloc : memref<!tpu.dma_semaphore, #tpu.memory_space<semaphore_mem>>
        %dma_start3A_298 = arith.constant 0 : i32
        %dma_start3A_299 = tpu.memref_slice %arg12[%add3A_174, %dma_start3A_298] : memref<80x125xi32, #tpu.memory_space<vmem>> -> memref<1x125xi32, #tpu.memory_space<vmem>>
        %dma_start3A_300 = tpu.memref_squeeze %dma_start3A_299 : memref<1x125xi32, #tpu.memory_space<vmem>> -> memref<125xi32, #tpu.memory_space<vmem>>
        %dma_start3A_301 = arith.constant 0 : i32
        %dma_start3A_302 = arith.constant 0 : i32
        %dma_start3A_303 = tpu.memref_slice %arg9[%dma_start3A_301, %dma_start3A_302] : memref<10000x128xf32, #tpu.memory_space<vmem_shared>> -> memref<10000x128xf32, #tpu.memory_space<vmem_shared>>
        tpu.enqueue_indirect_dma source(%arg13 : memref<125x128xf32, #tpu.memory_space<vmem>>) target(%dma_start3A_303 : memref<10000x128xf32, #tpu.memory_space<vmem_shared>>) offsets(%dma_start3A_300 : memref<125xi32, #tpu.memory_space<vmem>>) semaphore(%run_scoped3A : memref<!tpu.dma_semaphore, #tpu.memory_space<semaphore_mem>>) {add = true}
        %dma_wait3A_304 = arith.constant 0 : i32
        %dma_wait3A_305 = tpu.memref_slice %arg12[%add3A_174, %dma_wait3A_304] : memref<80x125xi32, #tpu.memory_space<vmem>> -> memref<1x125xi32, #tpu.memory_space<vmem>>
        %dma_wait3A_306 = tpu.memref_squeeze %dma_wait3A_305 : memref<1x125xi32, #tpu.memory_space<vmem>> -> memref<125xi32, #tpu.memory_space<vmem>>
        %dma_wait3A_307 = arith.constant 0 : i32
        %dma_wait3A_308 = arith.constant 0 : i32
        %dma_wait3A_309 = tpu.memref_slice %arg9[%dma_wait3A_307, %dma_wait3A_308] : memref<10000x128xf32, #tpu.memory_space<vmem_shared>> -> memref<10000x128xf32, #tpu.memory_space<vmem_shared>>
        tpu.wait_indirect_dma semaphore(%run_scoped3A : memref<!tpu.dma_semaphore, #tpu.memory_space<semaphore_mem>>) src(%arg13 : memref<125x128xf32, #tpu.memory_space<vmem>>) dst(%dma_wait3A_309 : memref<10000x128xf32, #tpu.memory_space<vmem_shared>>)
        tpu.yield
      }) : () -> ()
      %add3A_182 = arith.constant 2 : i32
      %add3A_183 = arith.addi %add3A_174, %add3A_182 : i32
      %lt3A = arith.constant 80 : i32
      %lt3A_184 = arith.cmpi slt, %add3A_183, %lt3A : i32
      %convert_element_type3A_185 = arith.extui %lt3A_184 : i1 to i32
      %cond3A_186 = arith.constant 0 : i32
      %cond3A_187 = arith.cmpi ne, %convert_element_type3A_185, %cond3A_186 : i32
      scf.if %cond3A_187 {
        %dma_wait3A_298 = arith.constant 0 : i32
        %dma_wait3A_299 = arith.constant 2 : i32
        %dma_wait3A_300 = arith.constant 0 : i32
        %dma_wait3A_301 = tpu.memref_slice %arg11[%dma_wait3A_299, %dma_wait3A_300] : memref<4x125xi32, #tpu.memory_space<vmem>> -> memref<1x125xi32, #tpu.memory_space<vmem>>
        %dma_wait3A_302 = tpu.memref_squeeze %dma_wait3A_301 : memref<1x125xi32, #tpu.memory_space<vmem>> -> memref<125xi32, #tpu.memory_space<vmem>>
        %dma_wait3A_303 = arith.constant 0 : i32
        %dma_wait3A_304 = tpu.memref_slice %arg3[%add3A, %dma_wait3A_298, %dma_wait3A_303] : memref<32x80x128xi32, #tpu.memory_space<hbm>> -> memref<1x1x125xi32, #tpu.memory_space<hbm>>
        %dma_wait3A_305 = tpu.memref_squeeze %dma_wait3A_304 : memref<1x1x125xi32, #tpu.memory_space<hbm>> -> memref<125xi32, #tpu.memory_space<hbm>>
        %dma_wait3A_306 = arith.constant 0 : i32
        %dma_wait3A_307 = tpu.memref_slice %arg11[%dma_wait3A_299, %dma_wait3A_306] : memref<4x125xi32, #tpu.memory_space<vmem>> -> memref<1x125xi32, #tpu.memory_space<vmem>>
        %dma_wait3A_308 = tpu.memref_squeeze %dma_wait3A_307 : memref<1x125xi32, #tpu.memory_space<vmem>> -> memref<125xi32, #tpu.memory_space<vmem>>
        %dma_wait3A_309 = arith.constant 0 : i32
        %dma_wait3A_310 = tpu.memref_slice %arg3[%add3A, %dma_wait3A_298, %dma_wait3A_309] : memref<32x80x128xi32, #tpu.memory_space<hbm>> -> memref<1x1x125xi32, #tpu.memory_space<hbm>>
        %dma_wait3A_311 = tpu.memref_squeeze %dma_wait3A_310 : memref<1x1x125xi32, #tpu.memory_space<hbm>> -> memref<125xi32, #tpu.memory_space<hbm>>
        tpu.wait_dma2 semaphore(%arg21 : memref<!tpu.dma_semaphore, #tpu.memory_space<semaphore_mem>>) src(%dma_wait3A_311 : memref<125xi32, #tpu.memory_space<hbm>>) dst(%dma_wait3A_308 : memref<125xi32, #tpu.memory_space<vmem>>)
        %dma_start3A_312 = arith.constant 2 : i32
        %dma_start3A_313 = arith.constant 0 : i32
        %dma_start3A_314 = tpu.memref_slice %arg11[%dma_start3A_312, %dma_start3A_313] : memref<4x125xi32, #tpu.memory_space<vmem>> -> memref<1x125xi32, #tpu.memory_space<vmem>>
        %dma_start3A_315 = tpu.memref_squeeze %dma_start3A_314 : memref<1x125xi32, #tpu.memory_space<vmem>> -> memref<125xi32, #tpu.memory_space<vmem>>
        %dma_start3A_316 = arith.constant 0 : i32
        %dma_start3A_317 = arith.constant 0 : i32
        %dma_start3A_318 = tpu.memref_slice %arg2[%dma_start3A_316, %dma_start3A_317] : memref<10000x128xf32, #tpu.memory_space<hbm>> -> memref<10000x128xf32, #tpu.memory_space<hbm>>
        tpu.enqueue_indirect_dma source(%dma_start3A_318 : memref<10000x128xf32, #tpu.memory_space<hbm>>) target(%arg13 : memref<125x128xf32, #tpu.memory_space<vmem>>) offsets(%dma_start3A_315 : memref<125xi32, #tpu.memory_space<vmem>>) semaphore(%arg16 : memref<!tpu.dma_semaphore, #tpu.memory_space<semaphore_mem>>)
      } else {
      }
      %dma_start3A_188 = arith.constant 0 : i32
      %dma_start3A_189 = tpu.memref_slice %arg15[%dma_start3A_188] : memref<128xf32, #tpu.memory_space<vmem>> -> memref<125xf32, #tpu.memory_space<vmem>>
      %dma_start3A_190 = arith.constant 0 : i32
      %dma_start3A_191 = tpu.memref_slice %arg12[%add3A_174, %dma_start3A_190] : memref<80x125xi32, #tpu.memory_space<vmem>> -> memref<1x125xi32, #tpu.memory_space<vmem>>
      %dma_start3A_192 = tpu.memref_squeeze %dma_start3A_191 : memref<1x125xi32, #tpu.memory_space<vmem>> -> memref<125xi32, #tpu.memory_space<vmem>>
      %dma_start3A_193 = arith.constant 0 : i32
      %dma_start3A_194 = tpu.memref_slice %arg10[%dma_start3A_193] : memref<10000xf32, #tpu.memory_space<vmem_shared>> -> memref<10000xf32, #tpu.memory_space<vmem_shared>>
      tpu.enqueue_indirect_dma source(%dma_start3A_189 : memref<125xf32, #tpu.memory_space<vmem>>) target(%dma_start3A_194 : memref<10000xf32, #tpu.memory_space<vmem_shared>>) offsets(%dma_start3A_192 : memref<125xi32, #tpu.memory_space<vmem>>) semaphore(%arg18 : memref<!tpu.dma_semaphore, #tpu.memory_space<semaphore_mem>>) {add = true}
      %add3A_195 = arith.constant 4 : i32
      %add3A_196 = arith.addi %add3A_174, %add3A_195 : i32
      %lt3A_197 = arith.constant 80 : i32
      %lt3A_198 = arith.cmpi slt, %add3A_196, %lt3A_197 : i32
      %convert_element_type3A_199 = arith.extui %lt3A_198 : i1 to i32
      %cond3A_200 = arith.constant 0 : i32
      %cond3A_201 = arith.cmpi ne, %convert_element_type3A_199, %cond3A_200 : i32
      scf.if %cond3A_201 {
        %add3A_298 = arith.constant 4 : i32
        %add3A_299 = arith.addi %add3A_174, %add3A_298 : i32
        %dma_start3A_300 = arith.constant 0 : i32
        %dma_start3A_301 = arith.constant 0 : i32
        %dma_start3A_302 = tpu.memref_slice %arg11[%dma_start3A_300, %dma_start3A_301] : memref<4x125xi32, #tpu.memory_space<vmem>> -> memref<1x125xi32, #tpu.memory_space<vmem>>
        %dma_start3A_303 = tpu.memref_squeeze %dma_start3A_302 : memref<1x125xi32, #tpu.memory_space<vmem>> -> memref<125xi32, #tpu.memory_space<vmem>>
        %dma_start3A_304 = arith.constant 0 : i32
        %dma_start3A_305 = tpu.memref_slice %arg3[%add3A, %add3A_299, %dma_start3A_304] : memref<32x80x128xi32, #tpu.memory_space<hbm>> -> memref<1x1x125xi32, #tpu.memory_space<hbm>>
        %dma_start3A_306 = tpu.memref_squeeze %dma_start3A_305 : memref<1x1x125xi32, #tpu.memory_space<hbm>> -> memref<125xi32, #tpu.memory_space<hbm>>
        %dma_start3A_307 = arith.constant 0 : i32
        %dma_start3A_308 = tpu.memref_slice %arg11[%dma_start3A_300, %dma_start3A_307] : memref<4x125xi32, #tpu.memory_space<vmem>> -> memref<1x125xi32, #tpu.memory_space<vmem>>
        %dma_start3A_309 = tpu.memref_squeeze %dma_start3A_308 : memref<1x125xi32, #tpu.memory_space<vmem>> -> memref<125xi32, #tpu.memory_space<vmem>>
        %dma_start3A_310 = arith.constant 0 : i32
        %dma_start3A_311 = tpu.memref_slice %arg3[%add3A, %add3A_299, %dma_start3A_310] : memref<32x80x128xi32, #tpu.memory_space<hbm>> -> memref<1x1x125xi32, #tpu.memory_space<hbm>>
        %dma_start3A_312 = tpu.memref_squeeze %dma_start3A_311 : memref<1x1x125xi32, #tpu.memory_space<hbm>> -> memref<125xi32, #tpu.memory_space<hbm>>
        tpu.enqueue_dma source(%dma_start3A_312 : memref<125xi32, #tpu.memory_space<hbm>>) target(%dma_start3A_309 : memref<125xi32, #tpu.memory_space<vmem>>) target_semaphore(%arg19 : memref<!tpu.dma_semaphore, #tpu.memory_space<semaphore_mem>>)
      } else {
      }
      %mul3A_202 = arith.constant 4 : i32
      %mul3A_203 = arith.muli %scan3A_170, %mul3A_202 : i32
      %add3A_204 = arith.constant 1 : i32
      %add3A_205 = arith.addi %mul3A_203, %add3A_204 : i32
      %dma_wait3A_206 = arith.constant 1 : i32
      %dma_wait3A_207 = arith.constant 0 : i32
      %dma_wait3A_208 = tpu.memref_slice %arg11[%dma_wait3A_206, %dma_wait3A_207] : memref<4x125xi32, #tpu.memory_space<vmem>> -> memref<1x125xi32, #tpu.memory_space<vmem>>
      %dma_wait3A_209 = tpu.memref_squeeze %dma_wait3A_208 : memref<1x125xi32, #tpu.memory_space<vmem>> -> memref<125xi32, #tpu.memory_space<vmem>>
      %dma_wait3A_210 = arith.constant 0 : i32
      %dma_wait3A_211 = arith.constant 0 : i32
      %dma_wait3A_212 = tpu.memref_slice %arg2[%dma_wait3A_210, %dma_wait3A_211] : memref<10000x128xf32, #tpu.memory_space<hbm>> -> memref<10000x128xf32, #tpu.memory_space<hbm>>
      tpu.wait_indirect_dma semaphore(%arg17 : memref<!tpu.dma_semaphore, #tpu.memory_space<semaphore_mem>>) src(%dma_wait3A_212 : memref<10000x128xf32, #tpu.memory_space<hbm>>) dst(%arg14 : memref<125x128xf32, #tpu.memory_space<vmem>>)
      "tpu.region"() ({
        %run_scoped3A = tpu.sem_alloc : memref<!tpu.dma_semaphore, #tpu.memory_space<semaphore_mem>>
        %dma_start3A_298 = arith.constant 0 : i32
        %dma_start3A_299 = tpu.memref_slice %arg12[%add3A_205, %dma_start3A_298] : memref<80x125xi32, #tpu.memory_space<vmem>> -> memref<1x125xi32, #tpu.memory_space<vmem>>
        %dma_start3A_300 = tpu.memref_squeeze %dma_start3A_299 : memref<1x125xi32, #tpu.memory_space<vmem>> -> memref<125xi32, #tpu.memory_space<vmem>>
        %dma_start3A_301 = arith.constant 0 : i32
        %dma_start3A_302 = arith.constant 0 : i32
        %dma_start3A_303 = tpu.memref_slice %arg9[%dma_start3A_301, %dma_start3A_302] : memref<10000x128xf32, #tpu.memory_space<vmem_shared>> -> memref<10000x128xf32, #tpu.memory_space<vmem_shared>>
        tpu.enqueue_indirect_dma source(%arg14 : memref<125x128xf32, #tpu.memory_space<vmem>>) target(%dma_start3A_303 : memref<10000x128xf32, #tpu.memory_space<vmem_shared>>) offsets(%dma_start3A_300 : memref<125xi32, #tpu.memory_space<vmem>>) semaphore(%run_scoped3A : memref<!tpu.dma_semaphore, #tpu.memory_space<semaphore_mem>>) {add = true}
        %dma_wait3A_304 = arith.constant 0 : i32
        %dma_wait3A_305 = tpu.memref_slice %arg12[%add3A_205, %dma_wait3A_304] : memref<80x125xi32, #tpu.memory_space<vmem>> -> memref<1x125xi32, #tpu.memory_space<vmem>>
        %dma_wait3A_306 = tpu.memref_squeeze %dma_wait3A_305 : memref<1x125xi32, #tpu.memory_space<vmem>> -> memref<125xi32, #tpu.memory_space<vmem>>
        %dma_wait3A_307 = arith.constant 0 : i32
        %dma_wait3A_308 = arith.constant 0 : i32
        %dma_wait3A_309 = tpu.memref_slice %arg9[%dma_wait3A_307, %dma_wait3A_308] : memref<10000x128xf32, #tpu.memory_space<vmem_shared>> -> memref<10000x128xf32, #tpu.memory_space<vmem_shared>>
        tpu.wait_indirect_dma semaphore(%run_scoped3A : memref<!tpu.dma_semaphore, #tpu.memory_space<semaphore_mem>>) src(%arg14 : memref<125x128xf32, #tpu.memory_space<vmem>>) dst(%dma_wait3A_309 : memref<10000x128xf32, #tpu.memory_space<vmem_shared>>)
        tpu.yield
      }) : () -> ()
      %add3A_213 = arith.constant 2 : i32
      %add3A_214 = arith.addi %add3A_205, %add3A_213 : i32
      %lt3A_215 = arith.constant 80 : i32
      %lt3A_216 = arith.cmpi slt, %add3A_214, %lt3A_215 : i32
      %convert_element_type3A_217 = arith.extui %lt3A_216 : i1 to i32
      %cond3A_218 = arith.constant 0 : i32
      %cond3A_219 = arith.cmpi ne, %convert_element_type3A_217, %cond3A_218 : i32
      scf.if %cond3A_219 {
        %dma_wait3A_298 = arith.constant 0 : i32
        %dma_wait3A_299 = arith.constant 3 : i32
        %dma_wait3A_300 = arith.constant 0 : i32
        %dma_wait3A_301 = tpu.memref_slice %arg11[%dma_wait3A_299, %dma_wait3A_300] : memref<4x125xi32, #tpu.memory_space<vmem>> -> memref<1x125xi32, #tpu.memory_space<vmem>>
        %dma_wait3A_302 = tpu.memref_squeeze %dma_wait3A_301 : memref<1x125xi32, #tpu.memory_space<vmem>> -> memref<125xi32, #tpu.memory_space<vmem>>
        %dma_wait3A_303 = arith.constant 0 : i32
        %dma_wait3A_304 = tpu.memref_slice %arg3[%add3A, %dma_wait3A_298, %dma_wait3A_303] : memref<32x80x128xi32, #tpu.memory_space<hbm>> -> memref<1x1x125xi32, #tpu.memory_space<hbm>>
        %dma_wait3A_305 = tpu.memref_squeeze %dma_wait3A_304 : memref<1x1x125xi32, #tpu.memory_space<hbm>> -> memref<125xi32, #tpu.memory_space<hbm>>
        %dma_wait3A_306 = arith.constant 0 : i32
        %dma_wait3A_307 = tpu.memref_slice %arg11[%dma_wait3A_299, %dma_wait3A_306] : memref<4x125xi32, #tpu.memory_space<vmem>> -> memref<1x125xi32, #tpu.memory_space<vmem>>
        %dma_wait3A_308 = tpu.memref_squeeze %dma_wait3A_307 : memref<1x125xi32, #tpu.memory_space<vmem>> -> memref<125xi32, #tpu.memory_space<vmem>>
        %dma_wait3A_309 = arith.constant 0 : i32
        %dma_wait3A_310 = tpu.memref_slice %arg3[%add3A, %dma_wait3A_298, %dma_wait3A_309] : memref<32x80x128xi32, #tpu.memory_space<hbm>> -> memref<1x1x125xi32, #tpu.memory_space<hbm>>
        %dma_wait3A_311 = tpu.memref_squeeze %dma_wait3A_310 : memref<1x1x125xi32, #tpu.memory_space<hbm>> -> memref<125xi32, #tpu.memory_space<hbm>>
        tpu.wait_dma2 semaphore(%arg22 : memref<!tpu.dma_semaphore, #tpu.memory_space<semaphore_mem>>) src(%dma_wait3A_311 : memref<125xi32, #tpu.memory_space<hbm>>) dst(%dma_wait3A_308 : memref<125xi32, #tpu.memory_space<vmem>>)
        %dma_start3A_312 = arith.constant 3 : i32
        %dma_start3A_313 = arith.constant 0 : i32
        %dma_start3A_314 = tpu.memref_slice %arg11[%dma_start3A_312, %dma_start3A_313] : memref<4x125xi32, #tpu.memory_space<vmem>> -> memref<1x125xi32, #tpu.memory_space<vmem>>
        %dma_start3A_315 = tpu.memref_squeeze %dma_start3A_314 : memref<1x125xi32, #tpu.memory_space<vmem>> -> memref<125xi32, #tpu.memory_space<vmem>>
        %dma_start3A_316 = arith.constant 0 : i32
        %dma_start3A_317 = arith.constant 0 : i32
        %dma_start3A_318 = tpu.memref_slice %arg2[%dma_start3A_316, %dma_start3A_317] : memref<10000x128xf32, #tpu.memory_space<hbm>> -> memref<10000x128xf32, #tpu.memory_space<hbm>>
        tpu.enqueue_indirect_dma source(%dma_start3A_318 : memref<10000x128xf32, #tpu.memory_space<hbm>>) target(%arg14 : memref<125x128xf32, #tpu.memory_space<vmem>>) offsets(%dma_start3A_315 : memref<125xi32, #tpu.memory_space<vmem>>) semaphore(%arg17 : memref<!tpu.dma_semaphore, #tpu.memory_space<semaphore_mem>>)
      } else {
      }
      %dma_start3A_220 = arith.constant 0 : i32
      %dma_start3A_221 = tpu.memref_slice %arg15[%dma_start3A_220] : memref<128xf32, #tpu.memory_space<vmem>> -> memref<125xf32, #tpu.memory_space<vmem>>
      %dma_start3A_222 = arith.constant 0 : i32
      %dma_start3A_223 = tpu.memref_slice %arg12[%add3A_205, %dma_start3A_222] : memref<80x125xi32, #tpu.memory_space<vmem>> -> memref<1x125xi32, #tpu.memory_space<vmem>>
      %dma_start3A_224 = tpu.memref_squeeze %dma_start3A_223 : memref<1x125xi32, #tpu.memory_space<vmem>> -> memref<125xi32, #tpu.memory_space<vmem>>
      %dma_start3A_225 = arith.constant 0 : i32
      %dma_start3A_226 = tpu.memref_slice %arg10[%dma_start3A_225] : memref<10000xf32, #tpu.memory_space<vmem_shared>> -> memref<10000xf32, #tpu.memory_space<vmem_shared>>
      tpu.enqueue_indirect_dma source(%dma_start3A_221 : memref<125xf32, #tpu.memory_space<vmem>>) target(%dma_start3A_226 : memref<10000xf32, #tpu.memory_space<vmem_shared>>) offsets(%dma_start3A_224 : memref<125xi32, #tpu.memory_space<vmem>>) semaphore(%arg18 : memref<!tpu.dma_semaphore, #tpu.memory_space<semaphore_mem>>) {add = true}
      %add3A_227 = arith.constant 4 : i32
      %add3A_228 = arith.addi %add3A_205, %add3A_227 : i32
      %lt3A_229 = arith.constant 80 : i32
      %lt3A_230 = arith.cmpi slt, %add3A_228, %lt3A_229 : i32
      %convert_element_type3A_231 = arith.extui %lt3A_230 : i1 to i32
      %cond3A_232 = arith.constant 0 : i32
      %cond3A_233 = arith.cmpi ne, %convert_element_type3A_231, %cond3A_232 : i32
      scf.if %cond3A_233 {
        %add3A_298 = arith.constant 4 : i32
        %add3A_299 = arith.addi %add3A_205, %add3A_298 : i32
        %dma_start3A_300 = arith.constant 1 : i32
        %dma_start3A_301 = arith.constant 0 : i32
        %dma_start3A_302 = tpu.memref_slice %arg11[%dma_start3A_300, %dma_start3A_301] : memref<4x125xi32, #tpu.memory_space<vmem>> -> memref<1x125xi32, #tpu.memory_space<vmem>>
        %dma_start3A_303 = tpu.memref_squeeze %dma_start3A_302 : memref<1x125xi32, #tpu.memory_space<vmem>> -> memref<125xi32, #tpu.memory_space<vmem>>
        %dma_start3A_304 = arith.constant 0 : i32
        %dma_start3A_305 = tpu.memref_slice %arg3[%add3A, %add3A_299, %dma_start3A_304] : memref<32x80x128xi32, #tpu.memory_space<hbm>> -> memref<1x1x125xi32, #tpu.memory_space<hbm>>
        %dma_start3A_306 = tpu.memref_squeeze %dma_start3A_305 : memref<1x1x125xi32, #tpu.memory_space<hbm>> -> memref<125xi32, #tpu.memory_space<hbm>>
        %dma_start3A_307 = arith.constant 0 : i32
        %dma_start3A_308 = tpu.memref_slice %arg11[%dma_start3A_300, %dma_start3A_307] : memref<4x125xi32, #tpu.memory_space<vmem>> -> memref<1x125xi32, #tpu.memory_space<vmem>>
        %dma_start3A_309 = tpu.memref_squeeze %dma_start3A_308 : memref<1x125xi32, #tpu.memory_space<vmem>> -> memref<125xi32, #tpu.memory_space<vmem>>
        %dma_start3A_310 = arith.constant 0 : i32
        %dma_start3A_311 = tpu.memref_slice %arg3[%add3A, %add3A_299, %dma_start3A_310] : memref<32x80x128xi32, #tpu.memory_space<hbm>> -> memref<1x1x125xi32, #tpu.memory_space<hbm>>
        %dma_start3A_312 = tpu.memref_squeeze %dma_start3A_311 : memref<1x1x125xi32, #tpu.memory_space<hbm>> -> memref<125xi32, #tpu.memory_space<hbm>>
        tpu.enqueue_dma source(%dma_start3A_312 : memref<125xi32, #tpu.memory_space<hbm>>) target(%dma_start3A_309 : memref<125xi32, #tpu.memory_space<vmem>>) target_semaphore(%arg20 : memref<!tpu.dma_semaphore, #tpu.memory_space<semaphore_mem>>)
      } else {
      }
      %mul3A_234 = arith.constant 4 : i32
      %mul3A_235 = arith.muli %scan3A_170, %mul3A_234 : i32
      %add3A_236 = arith.constant 2 : i32
      %add3A_237 = arith.addi %mul3A_235, %add3A_236 : i32
      %dma_wait3A_238 = arith.constant 2 : i32
      %dma_wait3A_239 = arith.constant 0 : i32
      %dma_wait3A_240 = tpu.memref_slice %arg11[%dma_wait3A_238, %dma_wait3A_239] : memref<4x125xi32, #tpu.memory_space<vmem>> -> memref<1x125xi32, #tpu.memory_space<vmem>>
      %dma_wait3A_241 = tpu.memref_squeeze %dma_wait3A_240 : memref<1x125xi32, #tpu.memory_space<vmem>> -> memref<125xi32, #tpu.memory_space<vmem>>
      %dma_wait3A_242 = arith.constant 0 : i32
      %dma_wait3A_243 = arith.constant 0 : i32
      %dma_wait3A_244 = tpu.memref_slice %arg2[%dma_wait3A_242, %dma_wait3A_243] : memref<10000x128xf32, #tpu.memory_space<hbm>> -> memref<10000x128xf32, #tpu.memory_space<hbm>>
      tpu.wait_indirect_dma semaphore(%arg16 : memref<!tpu.dma_semaphore, #tpu.memory_space<semaphore_mem>>) src(%dma_wait3A_244 : memref<10000x128xf32, #tpu.memory_space<hbm>>) dst(%arg13 : memref<125x128xf32, #tpu.memory_space<vmem>>)
      "tpu.region"() ({
        %run_scoped3A = tpu.sem_alloc : memref<!tpu.dma_semaphore, #tpu.memory_space<semaphore_mem>>
        %dma_start3A_298 = arith.constant 0 : i32
        %dma_start3A_299 = tpu.memref_slice %arg12[%add3A_237, %dma_start3A_298] : memref<80x125xi32, #tpu.memory_space<vmem>> -> memref<1x125xi32, #tpu.memory_space<vmem>>
        %dma_start3A_300 = tpu.memref_squeeze %dma_start3A_299 : memref<1x125xi32, #tpu.memory_space<vmem>> -> memref<125xi32, #tpu.memory_space<vmem>>
        %dma_start3A_301 = arith.constant 0 : i32
        %dma_start3A_302 = arith.constant 0 : i32
        %dma_start3A_303 = tpu.memref_slice %arg9[%dma_start3A_301, %dma_start3A_302] : memref<10000x128xf32, #tpu.memory_space<vmem_shared>> -> memref<10000x128xf32, #tpu.memory_space<vmem_shared>>
        tpu.enqueue_indirect_dma source(%arg13 : memref<125x128xf32, #tpu.memory_space<vmem>>) target(%dma_start3A_303 : memref<10000x128xf32, #tpu.memory_space<vmem_shared>>) offsets(%dma_start3A_300 : memref<125xi32, #tpu.memory_space<vmem>>) semaphore(%run_scoped3A : memref<!tpu.dma_semaphore, #tpu.memory_space<semaphore_mem>>) {add = true}
        %dma_wait3A_304 = arith.constant 0 : i32
        %dma_wait3A_305 = tpu.memref_slice %arg12[%add3A_237, %dma_wait3A_304] : memref<80x125xi32, #tpu.memory_space<vmem>> -> memref<1x125xi32, #tpu.memory_space<vmem>>
        %dma_wait3A_306 = tpu.memref_squeeze %dma_wait3A_305 : memref<1x125xi32, #tpu.memory_space<vmem>> -> memref<125xi32, #tpu.memory_space<vmem>>
        %dma_wait3A_307 = arith.constant 0 : i32
        %dma_wait3A_308 = arith.constant 0 : i32
        %dma_wait3A_309 = tpu.memref_slice %arg9[%dma_wait3A_307, %dma_wait3A_308] : memref<10000x128xf32, #tpu.memory_space<vmem_shared>> -> memref<10000x128xf32, #tpu.memory_space<vmem_shared>>
        tpu.wait_indirect_dma semaphore(%run_scoped3A : memref<!tpu.dma_semaphore, #tpu.memory_space<semaphore_mem>>) src(%arg13 : memref<125x128xf32, #tpu.memory_space<vmem>>) dst(%dma_wait3A_309 : memref<10000x128xf32, #tpu.memory_space<vmem_shared>>)
        tpu.yield
      }) : () -> ()
      %add3A_245 = arith.constant 2 : i32
      %add3A_246 = arith.addi %add3A_237, %add3A_245 : i32
      %lt3A_247 = arith.constant 80 : i32
      %lt3A_248 = arith.cmpi slt, %add3A_246, %lt3A_247 : i32
      %convert_element_type3A_249 = arith.extui %lt3A_248 : i1 to i32
      %cond3A_250 = arith.constant 0 : i32
      %cond3A_251 = arith.cmpi ne, %convert_element_type3A_249, %cond3A_250 : i32
      scf.if %cond3A_251 {
        %dma_wait3A_298 = arith.constant 0 : i32
        %dma_wait3A_299 = arith.constant 0 : i32
        %dma_wait3A_300 = arith.constant 0 : i32
        %dma_wait3A_301 = tpu.memref_slice %arg11[%dma_wait3A_299, %dma_wait3A_300] : memref<4x125xi32, #tpu.memory_space<vmem>> -> memref<1x125xi32, #tpu.memory_space<vmem>>
        %dma_wait3A_302 = tpu.memref_squeeze %dma_wait3A_301 : memref<1x125xi32, #tpu.memory_space<vmem>> -> memref<125xi32, #tpu.memory_space<vmem>>
        %dma_wait3A_303 = arith.constant 0 : i32
        %dma_wait3A_304 = tpu.memref_slice %arg3[%add3A, %dma_wait3A_298, %dma_wait3A_303] : memref<32x80x128xi32, #tpu.memory_space<hbm>> -> memref<1x1x125xi32, #tpu.memory_space<hbm>>
        %dma_wait3A_305 = tpu.memref_squeeze %dma_wait3A_304 : memref<1x1x125xi32, #tpu.memory_space<hbm>> -> memref<125xi32, #tpu.memory_space<hbm>>
        %dma_wait3A_306 = arith.constant 0 : i32
        %dma_wait3A_307 = tpu.memref_slice %arg11[%dma_wait3A_299, %dma_wait3A_306] : memref<4x125xi32, #tpu.memory_space<vmem>> -> memref<1x125xi32, #tpu.memory_space<vmem>>
        %dma_wait3A_308 = tpu.memref_squeeze %dma_wait3A_307 : memref<1x125xi32, #tpu.memory_space<vmem>> -> memref<125xi32, #tpu.memory_space<vmem>>
        %dma_wait3A_309 = arith.constant 0 : i32
        %dma_wait3A_310 = tpu.memref_slice %arg3[%add3A, %dma_wait3A_298, %dma_wait3A_309] : memref<32x80x128xi32, #tpu.memory_space<hbm>> -> memref<1x1x125xi32, #tpu.memory_space<hbm>>
        %dma_wait3A_311 = tpu.memref_squeeze %dma_wait3A_310 : memref<1x1x125xi32, #tpu.memory_space<hbm>> -> memref<125xi32, #tpu.memory_space<hbm>>
        tpu.wait_dma2 semaphore(%arg19 : memref<!tpu.dma_semaphore, #tpu.memory_space<semaphore_mem>>) src(%dma_wait3A_311 : memref<125xi32, #tpu.memory_space<hbm>>) dst(%dma_wait3A_308 : memref<125xi32, #tpu.memory_space<vmem>>)
        %dma_start3A_312 = arith.constant 0 : i32
        %dma_start3A_313 = arith.constant 0 : i32
        %dma_start3A_314 = tpu.memref_slice %arg11[%dma_start3A_312, %dma_start3A_313] : memref<4x125xi32, #tpu.memory_space<vmem>> -> memref<1x125xi32, #tpu.memory_space<vmem>>
        %dma_start3A_315 = tpu.memref_squeeze %dma_start3A_314 : memref<1x125xi32, #tpu.memory_space<vmem>> -> memref<125xi32, #tpu.memory_space<vmem>>
        %dma_start3A_316 = arith.constant 0 : i32
        %dma_start3A_317 = arith.constant 0 : i32
        %dma_start3A_318 = tpu.memref_slice %arg2[%dma_start3A_316, %dma_start3A_317] : memref<10000x128xf32, #tpu.memory_space<hbm>> -> memref<10000x128xf32, #tpu.memory_space<hbm>>
        tpu.enqueue_indirect_dma source(%dma_start3A_318 : memref<10000x128xf32, #tpu.memory_space<hbm>>) target(%arg13 : memref<125x128xf32, #tpu.memory_space<vmem>>) offsets(%dma_start3A_315 : memref<125xi32, #tpu.memory_space<vmem>>) semaphore(%arg16 : memref<!tpu.dma_semaphore, #tpu.memory_space<semaphore_mem>>)
      } else {
      }
      %dma_start3A_252 = arith.constant 0 : i32
      %dma_start3A_253 = tpu.memref_slice %arg15[%dma_start3A_252] : memref<128xf32, #tpu.memory_space<vmem>> -> memref<125xf32, #tpu.memory_space<vmem>>
      %dma_start3A_254 = arith.constant 0 : i32
      %dma_start3A_255 = tpu.memref_slice %arg12[%add3A_237, %dma_start3A_254] : memref<80x125xi32, #tpu.memory_space<vmem>> -> memref<1x125xi32, #tpu.memory_space<vmem>>
      %dma_start3A_256 = tpu.memref_squeeze %dma_start3A_255 : memref<1x125xi32, #tpu.memory_space<vmem>> -> memref<125xi32, #tpu.memory_space<vmem>>
      %dma_start3A_257 = arith.constant 0 : i32
      %dma_start3A_258 = tpu.memref_slice %arg10[%dma_start3A_257] : memref<10000xf32, #tpu.memory_space<vmem_shared>> -> memref<10000xf32, #tpu.memory_space<vmem_shared>>
      tpu.enqueue_indirect_dma source(%dma_start3A_253 : memref<125xf32, #tpu.memory_space<vmem>>) target(%dma_start3A_258 : memref<10000xf32, #tpu.memory_space<vmem_shared>>) offsets(%dma_start3A_256 : memref<125xi32, #tpu.memory_space<vmem>>) semaphore(%arg18 : memref<!tpu.dma_semaphore, #tpu.memory_space<semaphore_mem>>) {add = true}
      %add3A_259 = arith.constant 4 : i32
      %add3A_260 = arith.addi %add3A_237, %add3A_259 : i32
      %lt3A_261 = arith.constant 80 : i32
      %lt3A_262 = arith.cmpi slt, %add3A_260, %lt3A_261 : i32
      %convert_element_type3A_263 = arith.extui %lt3A_262 : i1 to i32
      %cond3A_264 = arith.constant 0 : i32
      %cond3A_265 = arith.cmpi ne, %convert_element_type3A_263, %cond3A_264 : i32
      scf.if %cond3A_265 {
        %add3A_298 = arith.constant 4 : i32
        %add3A_299 = arith.addi %add3A_237, %add3A_298 : i32
        %dma_start3A_300 = arith.constant 2 : i32
        %dma_start3A_301 = arith.constant 0 : i32
        %dma_start3A_302 = tpu.memref_slice %arg11[%dma_start3A_300, %dma_start3A_301] : memref<4x125xi32, #tpu.memory_space<vmem>> -> memref<1x125xi32, #tpu.memory_space<vmem>>
        %dma_start3A_303 = tpu.memref_squeeze %dma_start3A_302 : memref<1x125xi32, #tpu.memory_space<vmem>> -> memref<125xi32, #tpu.memory_space<vmem>>
        %dma_start3A_304 = arith.constant 0 : i32
        %dma_start3A_305 = tpu.memref_slice %arg3[%add3A, %add3A_299, %dma_start3A_304] : memref<32x80x128xi32, #tpu.memory_space<hbm>> -> memref<1x1x125xi32, #tpu.memory_space<hbm>>
        %dma_start3A_306 = tpu.memref_squeeze %dma_start3A_305 : memref<1x1x125xi32, #tpu.memory_space<hbm>> -> memref<125xi32, #tpu.memory_space<hbm>>
        %dma_start3A_307 = arith.constant 0 : i32
        %dma_start3A_308 = tpu.memref_slice %arg11[%dma_start3A_300, %dma_start3A_307] : memref<4x125xi32, #tpu.memory_space<vmem>> -> memref<1x125xi32, #tpu.memory_space<vmem>>
        %dma_start3A_309 = tpu.memref_squeeze %dma_start3A_308 : memref<1x125xi32, #tpu.memory_space<vmem>> -> memref<125xi32, #tpu.memory_space<vmem>>
        %dma_start3A_310 = arith.constant 0 : i32
        %dma_start3A_311 = tpu.memref_slice %arg3[%add3A, %add3A_299, %dma_start3A_310] : memref<32x80x128xi32, #tpu.memory_space<hbm>> -> memref<1x1x125xi32, #tpu.memory_space<hbm>>
        %dma_start3A_312 = tpu.memref_squeeze %dma_start3A_311 : memref<1x1x125xi32, #tpu.memory_space<hbm>> -> memref<125xi32, #tpu.memory_space<hbm>>
        tpu.enqueue_dma source(%dma_start3A_312 : memref<125xi32, #tpu.memory_space<hbm>>) target(%dma_start3A_309 : memref<125xi32, #tpu.memory_space<vmem>>) target_semaphore(%arg21 : memref<!tpu.dma_semaphore, #tpu.memory_space<semaphore_mem>>)
      } else {
      }
      %mul3A_266 = arith.constant 4 : i32
      %mul3A_267 = arith.muli %scan3A_170, %mul3A_266 : i32
      %add3A_268 = arith.constant 3 : i32
      %add3A_269 = arith.addi %mul3A_267, %add3A_268 : i32
      %dma_wait3A_270 = arith.constant 3 : i32
      %dma_wait3A_271 = arith.constant 0 : i32
      %dma_wait3A_272 = tpu.memref_slice %arg11[%dma_wait3A_270, %dma_wait3A_271] : memref<4x125xi32, #tpu.memory_space<vmem>> -> memref<1x125xi32, #tpu.memory_space<vmem>>
      %dma_wait3A_273 = tpu.memref_squeeze %dma_wait3A_272 : memref<1x125xi32, #tpu.memory_space<vmem>> -> memref<125xi32, #tpu.memory_space<vmem>>
      %dma_wait3A_274 = arith.constant 0 : i32
      %dma_wait3A_275 = arith.constant 0 : i32
      %dma_wait3A_276 = tpu.memref_slice %arg2[%dma_wait3A_274, %dma_wait3A_275] : memref<10000x128xf32, #tpu.memory_space<hbm>> -> memref<10000x128xf32, #tpu.memory_space<hbm>>
      tpu.wait_indirect_dma semaphore(%arg17 : memref<!tpu.dma_semaphore, #tpu.memory_space<semaphore_mem>>) src(%dma_wait3A_276 : memref<10000x128xf32, #tpu.memory_space<hbm>>) dst(%arg14 : memref<125x128xf32, #tpu.memory_space<vmem>>)
      "tpu.region"() ({
        %run_scoped3A = tpu.sem_alloc : memref<!tpu.dma_semaphore, #tpu.memory_space<semaphore_mem>>
        %dma_start3A_298 = arith.constant 0 : i32
        %dma_start3A_299 = tpu.memref_slice %arg12[%add3A_269, %dma_start3A_298] : memref<80x125xi32, #tpu.memory_space<vmem>> -> memref<1x125xi32, #tpu.memory_space<vmem>>
        %dma_start3A_300 = tpu.memref_squeeze %dma_start3A_299 : memref<1x125xi32, #tpu.memory_space<vmem>> -> memref<125xi32, #tpu.memory_space<vmem>>
        %dma_start3A_301 = arith.constant 0 : i32
        %dma_start3A_302 = arith.constant 0 : i32
        %dma_start3A_303 = tpu.memref_slice %arg9[%dma_start3A_301, %dma_start3A_302] : memref<10000x128xf32, #tpu.memory_space<vmem_shared>> -> memref<10000x128xf32, #tpu.memory_space<vmem_shared>>
        tpu.enqueue_indirect_dma source(%arg14 : memref<125x128xf32, #tpu.memory_space<vmem>>) target(%dma_start3A_303 : memref<10000x128xf32, #tpu.memory_space<vmem_shared>>) offsets(%dma_start3A_300 : memref<125xi32, #tpu.memory_space<vmem>>) semaphore(%run_scoped3A : memref<!tpu.dma_semaphore, #tpu.memory_space<semaphore_mem>>) {add = true}
        %dma_wait3A_304 = arith.constant 0 : i32
        %dma_wait3A_305 = tpu.memref_slice %arg12[%add3A_269, %dma_wait3A_304] : memref<80x125xi32, #tpu.memory_space<vmem>> -> memref<1x125xi32, #tpu.memory_space<vmem>>
        %dma_wait3A_306 = tpu.memref_squeeze %dma_wait3A_305 : memref<1x125xi32, #tpu.memory_space<vmem>> -> memref<125xi32, #tpu.memory_space<vmem>>
        %dma_wait3A_307 = arith.constant 0 : i32
        %dma_wait3A_308 = arith.constant 0 : i32
        %dma_wait3A_309 = tpu.memref_slice %arg9[%dma_wait3A_307, %dma_wait3A_308] : memref<10000x128xf32, #tpu.memory_space<vmem_shared>> -> memref<10000x128xf32, #tpu.memory_space<vmem_shared>>
        tpu.wait_indirect_dma semaphore(%run_scoped3A : memref<!tpu.dma_semaphore, #tpu.memory_space<semaphore_mem>>) src(%arg14 : memref<125x128xf32, #tpu.memory_space<vmem>>) dst(%dma_wait3A_309 : memref<10000x128xf32, #tpu.memory_space<vmem_shared>>)
        tpu.yield
      }) : () -> ()
      %add3A_277 = arith.constant 2 : i32
      %add3A_278 = arith.addi %add3A_269, %add3A_277 : i32
      %lt3A_279 = arith.constant 80 : i32
      %lt3A_280 = arith.cmpi slt, %add3A_278, %lt3A_279 : i32
      %convert_element_type3A_281 = arith.extui %lt3A_280 : i1 to i32
      %cond3A_282 = arith.constant 0 : i32
      %cond3A_283 = arith.cmpi ne, %convert_element_type3A_281, %cond3A_282 : i32
      scf.if %cond3A_283 {
        %dma_wait3A_298 = arith.constant 0 : i32
        %dma_wait3A_299 = arith.constant 1 : i32
        %dma_wait3A_300 = arith.constant 0 : i32
        %dma_wait3A_301 = tpu.memref_slice %arg11[%dma_wait3A_299, %dma_wait3A_300] : memref<4x125xi32, #tpu.memory_space<vmem>> -> memref<1x125xi32, #tpu.memory_space<vmem>>
        %dma_wait3A_302 = tpu.memref_squeeze %dma_wait3A_301 : memref<1x125xi32, #tpu.memory_space<vmem>> -> memref<125xi32, #tpu.memory_space<vmem>>
        %dma_wait3A_303 = arith.constant 0 : i32
        %dma_wait3A_304 = tpu.memref_slice %arg3[%add3A, %dma_wait3A_298, %dma_wait3A_303] : memref<32x80x128xi32, #tpu.memory_space<hbm>> -> memref<1x1x125xi32, #tpu.memory_space<hbm>>
        %dma_wait3A_305 = tpu.memref_squeeze %dma_wait3A_304 : memref<1x1x125xi32, #tpu.memory_space<hbm>> -> memref<125xi32, #tpu.memory_space<hbm>>
        %dma_wait3A_306 = arith.constant 0 : i32
        %dma_wait3A_307 = tpu.memref_slice %arg11[%dma_wait3A_299, %dma_wait3A_306] : memref<4x125xi32, #tpu.memory_space<vmem>> -> memref<1x125xi32, #tpu.memory_space<vmem>>
        %dma_wait3A_308 = tpu.memref_squeeze %dma_wait3A_307 : memref<1x125xi32, #tpu.memory_space<vmem>> -> memref<125xi32, #tpu.memory_space<vmem>>
        %dma_wait3A_309 = arith.constant 0 : i32
        %dma_wait3A_310 = tpu.memref_slice %arg3[%add3A, %dma_wait3A_298, %dma_wait3A_309] : memref<32x80x128xi32, #tpu.memory_space<hbm>> -> memref<1x1x125xi32, #tpu.memory_space<hbm>>
        %dma_wait3A_311 = tpu.memref_squeeze %dma_wait3A_310 : memref<1x1x125xi32, #tpu.memory_space<hbm>> -> memref<125xi32, #tpu.memory_space<hbm>>
        tpu.wait_dma2 semaphore(%arg20 : memref<!tpu.dma_semaphore, #tpu.memory_space<semaphore_mem>>) src(%dma_wait3A_311 : memref<125xi32, #tpu.memory_space<hbm>>) dst(%dma_wait3A_308 : memref<125xi32, #tpu.memory_space<vmem>>)
        %dma_start3A_312 = arith.constant 1 : i32
        %dma_start3A_313 = arith.constant 0 : i32
        %dma_start3A_314 = tpu.memref_slice %arg11[%dma_start3A_312, %dma_start3A_313] : memref<4x125xi32, #tpu.memory_space<vmem>> -> memref<1x125xi32, #tpu.memory_space<vmem>>
        %dma_start3A_315 = tpu.memref_squeeze %dma_start3A_314 : memref<1x125xi32, #tpu.memory_space<vmem>> -> memref<125xi32, #tpu.memory_space<vmem>>
        %dma_start3A_316 = arith.constant 0 : i32
        %dma_start3A_317 = arith.constant 0 : i32
        %dma_start3A_318 = tpu.memref_slice %arg2[%dma_start3A_316, %dma_start3A_317] : memref<10000x128xf32, #tpu.memory_space<hbm>> -> memref<10000x128xf32, #tpu.memory_space<hbm>>
        tpu.enqueue_indirect_dma source(%dma_start3A_318 : memref<10000x128xf32, #tpu.memory_space<hbm>>) target(%arg14 : memref<125x128xf32, #tpu.memory_space<vmem>>) offsets(%dma_start3A_315 : memref<125xi32, #tpu.memory_space<vmem>>) semaphore(%arg17 : memref<!tpu.dma_semaphore, #tpu.memory_space<semaphore_mem>>)
      } else {
      }
      %dma_start3A_284 = arith.constant 0 : i32
      %dma_start3A_285 = tpu.memref_slice %arg15[%dma_start3A_284] : memref<128xf32, #tpu.memory_space<vmem>> -> memref<125xf32, #tpu.memory_space<vmem>>
      %dma_start3A_286 = arith.constant 0 : i32
      %dma_start3A_287 = tpu.memref_slice %arg12[%add3A_269, %dma_start3A_286] : memref<80x125xi32, #tpu.memory_space<vmem>> -> memref<1x125xi32, #tpu.memory_space<vmem>>
      %dma_start3A_288 = tpu.memref_squeeze %dma_start3A_287 : memref<1x125xi32, #tpu.memory_space<vmem>> -> memref<125xi32, #tpu.memory_space<vmem>>
      %dma_start3A_289 = arith.constant 0 : i32
      %dma_start3A_290 = tpu.memref_slice %arg10[%dma_start3A_289] : memref<10000xf32, #tpu.memory_space<vmem_shared>> -> memref<10000xf32, #tpu.memory_space<vmem_shared>>
      tpu.enqueue_indirect_dma source(%dma_start3A_285 : memref<125xf32, #tpu.memory_space<vmem>>) target(%dma_start3A_290 : memref<10000xf32, #tpu.memory_space<vmem_shared>>) offsets(%dma_start3A_288 : memref<125xi32, #tpu.memory_space<vmem>>) semaphore(%arg18 : memref<!tpu.dma_semaphore, #tpu.memory_space<semaphore_mem>>) {add = true}
      %add3A_291 = arith.constant 4 : i32
      %add3A_292 = arith.addi %add3A_269, %add3A_291 : i32
      %lt3A_293 = arith.constant 80 : i32
      %lt3A_294 = arith.cmpi slt, %add3A_292, %lt3A_293 : i32
      %convert_element_type3A_295 = arith.extui %lt3A_294 : i1 to i32
      %cond3A_296 = arith.constant 0 : i32
      %cond3A_297 = arith.cmpi ne, %convert_element_type3A_295, %cond3A_296 : i32
      scf.if %cond3A_297 {
        %add3A_298 = arith.constant 4 : i32
        %add3A_299 = arith.addi %add3A_269, %add3A_298 : i32
        %dma_start3A_300 = arith.constant 3 : i32
        %dma_start3A_301 = arith.constant 0 : i32
        %dma_start3A_302 = tpu.memref_slice %arg11[%dma_start3A_300, %dma_start3A_301] : memref<4x125xi32, #tpu.memory_space<vmem>> -> memref<1x125xi32, #tpu.memory_space<vmem>>
        %dma_start3A_303 = tpu.memref_squeeze %dma_start3A_302 : memref<1x125xi32, #tpu.memory_space<vmem>> -> memref<125xi32, #tpu.memory_space<vmem>>
        %dma_start3A_304 = arith.constant 0 : i32
        %dma_start3A_305 = tpu.memref_slice %arg3[%add3A, %add3A_299, %dma_start3A_304] : memref<32x80x128xi32, #tpu.memory_space<hbm>> -> memref<1x1x125xi32, #tpu.memory_space<hbm>>
        %dma_start3A_306 = tpu.memref_squeeze %dma_start3A_305 : memref<1x1x125xi32, #tpu.memory_space<hbm>> -> memref<125xi32, #tpu.memory_space<hbm>>
        %dma_start3A_307 = arith.constant 0 : i32
        %dma_start3A_308 = tpu.memref_slice %arg11[%dma_start3A_300, %dma_start3A_307] : memref<4x125xi32, #tpu.memory_space<vmem>> -> memref<1x125xi32, #tpu.memory_space<vmem>>
        %dma_start3A_309 = tpu.memref_squeeze %dma_start3A_308 : memref<1x125xi32, #tpu.memory_space<vmem>> -> memref<125xi32, #tpu.memory_space<vmem>>
        %dma_start3A_310 = arith.constant 0 : i32
        %dma_start3A_311 = tpu.memref_slice %arg3[%add3A, %add3A_299, %dma_start3A_310] : memref<32x80x128xi32, #tpu.memory_space<hbm>> -> memref<1x1x125xi32, #tpu.memory_space<hbm>>
        %dma_start3A_312 = tpu.memref_squeeze %dma_start3A_311 : memref<1x1x125xi32, #tpu.memory_space<hbm>> -> memref<125xi32, #tpu.memory_space<hbm>>
        tpu.enqueue_dma source(%dma_start3A_312 : memref<125xi32, #tpu.memory_space<hbm>>) target(%dma_start3A_309 : memref<125xi32, #tpu.memory_space<vmem>>) target_semaphore(%arg22 : memref<!tpu.dma_semaphore, #tpu.memory_space<semaphore_mem>>)
      } else {
      }
    }
    %scan3A_153 = arith.constant 20 : i32
    %scan3A_154 = arith.constant 0 : i32
    %scan3A_155 = arith.constant 0 : i32
    %scan3A_156 = arith.constant 80 : i32
    %scan3A_157 = arith.addi %scan3A_155, %scan3A_156 : i32
    %scan3A_158 = arith.constant 1 : i32
    scf.for %scan3A_170 = %scan3A_155 to %scan3A_157 step %scan3A_158  : i32 {
      %dma_wait3A_171 = arith.constant 0 : i32
      %dma_wait3A_172 = arith.constant 0 : i32
      %dma_wait3A_173 = tpu.memref_slice %arg15[%dma_wait3A_172] : memref<128xf32, #tpu.memory_space<vmem>> -> memref<125xf32, #tpu.memory_space<vmem>>
      %dma_wait3A_174 = arith.constant 0 : i32
      %dma_wait3A_175 = tpu.memref_slice %arg12[%dma_wait3A_171, %dma_wait3A_174] : memref<80x125xi32, #tpu.memory_space<vmem>> -> memref<1x125xi32, #tpu.memory_space<vmem>>
      %dma_wait3A_176 = tpu.memref_squeeze %dma_wait3A_175 : memref<1x125xi32, #tpu.memory_space<vmem>> -> memref<125xi32, #tpu.memory_space<vmem>>
      %dma_wait3A_177 = arith.constant 0 : i32
      %dma_wait3A_178 = tpu.memref_slice %arg10[%dma_wait3A_177] : memref<10000xf32, #tpu.memory_space<vmem_shared>> -> memref<10000xf32, #tpu.memory_space<vmem_shared>>
      tpu.wait_indirect_dma semaphore(%arg18 : memref<!tpu.dma_semaphore, #tpu.memory_space<semaphore_mem>>) src(%dma_wait3A_173 : memref<125xf32, #tpu.memory_space<vmem>>) dst(%dma_wait3A_178 : memref<10000xf32, #tpu.memory_space<vmem_shared>>)
    }
    %scan3A_159 = arith.constant 80 : i32
    %barrier3A_160 = arith.constant 0 : index
    tpu.barrier barrier_id(%barrier3A_160)
    %mul3A_161 = arith.constant 624 : i32
    %mul3A_162 = arith.muli %arg1, %mul3A_161 : i32
    %mul3A_163 = arith.constant 624 : i32
    %mul3A_164 = arith.muli %arg1, %mul3A_163 : i32
    "tpu.region"() ({
      %run_scoped3A = tpu.sem_alloc : memref<!tpu.dma_semaphore, #tpu.memory_space<semaphore_mem>>
      %dma_start3A_170 = arith.constant 0 : i32
      %dma_start3A_171 = tpu.memref_slice %arg7[%arg0, %mul3A_164, %dma_start3A_170] : memref<2x10000x128xf32, #tpu.memory_space<hbm>> -> memref<1x624x128xf32, #tpu.memory_space<hbm>>
      %dma_start3A_172 = tpu.memref_squeeze %dma_start3A_171 : memref<1x624x128xf32, #tpu.memory_space<hbm>> -> memref<624x128xf32, #tpu.memory_space<hbm>>
      %dma_start3A_173 = arith.constant 0 : i32
      %dma_start3A_174 = tpu.memref_slice %arg9[%mul3A_162, %dma_start3A_173] : memref<10000x128xf32, #tpu.memory_space<vmem_shared>> -> memref<624x128xf32, #tpu.memory_space<vmem_shared>>
      tpu.enqueue_dma source(%dma_start3A_174 : memref<624x128xf32, #tpu.memory_space<vmem_shared>>) target(%dma_start3A_172 : memref<624x128xf32, #tpu.memory_space<hbm>>) target_semaphore(%run_scoped3A : memref<!tpu.dma_semaphore, #tpu.memory_space<semaphore_mem>>)
      %dma_wait3A_175 = arith.constant 0 : i32
      %dma_wait3A_176 = tpu.memref_slice %arg7[%arg0, %mul3A_164, %dma_wait3A_175] : memref<2x10000x128xf32, #tpu.memory_space<hbm>> -> memref<1x624x128xf32, #tpu.memory_space<hbm>>
      %dma_wait3A_177 = tpu.memref_squeeze %dma_wait3A_176 : memref<1x624x128xf32, #tpu.memory_space<hbm>> -> memref<624x128xf32, #tpu.memory_space<hbm>>
      %dma_wait3A_178 = arith.constant 0 : i32
      %dma_wait3A_179 = tpu.memref_slice %arg9[%mul3A_162, %dma_wait3A_178] : memref<10000x128xf32, #tpu.memory_space<vmem_shared>> -> memref<624x128xf32, #tpu.memory_space<vmem_shared>>
      tpu.wait_dma2 semaphore(%run_scoped3A : memref<!tpu.dma_semaphore, #tpu.memory_space<semaphore_mem>>) src(%dma_wait3A_179 : memref<624x128xf32, #tpu.memory_space<vmem_shared>>) dst(%dma_wait3A_177 : memref<624x128xf32, #tpu.memory_space<hbm>>)
      tpu.yield
    }) : () -> ()
    %eq3A_165 = arith.constant 0 : i32
    %eq3A_166 = arith.cmpi eq, %arg1, %eq3A_165 : i32
    %convert_element_type3A_167 = arith.extui %eq3A_166 : i1 to i32
    %cond3A_168 = arith.constant 0 : i32
    %cond3A_169 = arith.cmpi ne, %convert_element_type3A_167, %cond3A_168 : i32
    scf.if %cond3A_169 {
      "tpu.region"() ({
        %run_scoped3A = tpu.sem_alloc : memref<!tpu.dma_semaphore, #tpu.memory_space<semaphore_mem>>
        %dma_start3A_170 = arith.constant 0 : i32
        %dma_start3A_171 = tpu.memref_slice %arg8[%arg0, %dma_start3A_170] : memref<2x10000xf32, #tpu.memory_space<hbm>> -> memref<1x10000xf32, #tpu.memory_space<hbm>>
        %dma_start3A_172 = tpu.memref_squeeze %dma_start3A_171 : memref<1x10000xf32, #tpu.memory_space<hbm>> -> memref<10000xf32, #tpu.memory_space<hbm>>
        tpu.enqueue_dma source(%arg10 : memref<10000xf32, #tpu.memory_space<vmem_shared>>) target(%dma_start3A_172 : memref<10000xf32, #tpu.memory_space<hbm>>) target_semaphore(%run_scoped3A : memref<!tpu.dma_semaphore, #tpu.memory_space<semaphore_mem>>)
        %dma_wait3A_173 = arith.constant 0 : i32
        %dma_wait3A_174 = tpu.memref_slice %arg8[%arg0, %dma_wait3A_173] : memref<2x10000xf32, #tpu.memory_space<hbm>> -> memref<1x10000xf32, #tpu.memory_space<hbm>>
        %dma_wait3A_175 = tpu.memref_squeeze %dma_wait3A_174 : memref<1x10000xf32, #tpu.memory_space<hbm>> -> memref<10000xf32, #tpu.memory_space<hbm>>
        tpu.wait_dma2 semaphore(%run_scoped3A : memref<!tpu.dma_semaphore, #tpu.memory_space<semaphore_mem>>) src(%arg10 : memref<10000xf32, #tpu.memory_space<vmem_shared>>) dst(%dma_wait3A_175 : memref<10000xf32, #tpu.memory_space<hbm>>)
        tpu.yield
      }) : () -> ()
      "tpu.region"() ({
        %run_scoped3A = tpu.sem_alloc : memref<!tpu.dma_semaphore, #tpu.memory_space<semaphore_mem>>
        %dma_start3A_170 = arith.constant 9984 : i32
        %dma_start3A_171 = arith.constant 0 : i32
        %dma_start3A_172 = tpu.memref_slice %arg7[%arg0, %dma_start3A_170, %dma_start3A_171] : memref<2x10000x128xf32, #tpu.memory_space<hbm>> -> memref<1x16x128xf32, #tpu.memory_space<hbm>>
        %dma_start3A_173 = tpu.memref_squeeze %dma_start3A_172 : memref<1x16x128xf32, #tpu.memory_space<hbm>> -> memref<16x128xf32, #tpu.memory_space<hbm>>
        %dma_start3A_174 = arith.constant 9984 : i32
        %dma_start3A_175 = arith.constant 0 : i32
        %dma_start3A_176 = tpu.memref_slice %arg9[%dma_start3A_174, %dma_start3A_175] : memref<10000x128xf32, #tpu.memory_space<vmem_shared>> -> memref<16x128xf32, #tpu.memory_space<vmem_shared>>
        tpu.enqueue_dma source(%dma_start3A_176 : memref<16x128xf32, #tpu.memory_space<vmem_shared>>) target(%dma_start3A_173 : memref<16x128xf32, #tpu.memory_space<hbm>>) target_semaphore(%run_scoped3A : memref<!tpu.dma_semaphore, #tpu.memory_space<semaphore_mem>>)
        %dma_wait3A_177 = arith.constant 9984 : i32
        %dma_wait3A_178 = arith.constant 0 : i32
        %dma_wait3A_179 = tpu.memref_slice %arg7[%arg0, %dma_wait3A_177, %dma_wait3A_178] : memref<2x10000x128xf32, #tpu.memory_space<hbm>> -> memref<1x16x128xf32, #tpu.memory_space<hbm>>
        %dma_wait3A_180 = tpu.memref_squeeze %dma_wait3A_179 : memref<1x16x128xf32, #tpu.memory_space<hbm>> -> memref<16x128xf32, #tpu.memory_space<hbm>>
        %dma_wait3A_181 = arith.constant 9984 : i32
        %dma_wait3A_182 = arith.constant 0 : i32
        %dma_wait3A_183 = tpu.memref_slice %arg9[%dma_wait3A_181, %dma_wait3A_182] : memref<10000x128xf32, #tpu.memory_space<vmem_shared>> -> memref<16x128xf32, #tpu.memory_space<vmem_shared>>
        tpu.wait_dma2 semaphore(%run_scoped3A : memref<!tpu.dma_semaphore, #tpu.memory_space<semaphore_mem>>) src(%dma_wait3A_183 : memref<16x128xf32, #tpu.memory_space<vmem_shared>>) dst(%dma_wait3A_180 : memref<16x128xf32, #tpu.memory_space<hbm>>)
        tpu.yield
      }) : () -> ()
    } else {
    }
    return
  }
}

module attributes {stable_mosaic.version = 14 : i64} {
  func.func @_transform_body(%arg0: i32, %arg1: memref<1000x128xf32, #tpu.memory_space<vmem>>, %arg2: memref<128x128xf32, #tpu.memory_space<vmem>>, %arg3: memref<1x128xf32, #tpu.memory_space<vmem>>, %arg4: memref<1000x128xf32, #tpu.memory_space<vmem>>) attributes {dimension_semantics = [#tpu.dimension_semantics<arbitrary>], iteration_bounds = array<i64: 10>, scalar_prefetch = 0 : i64, scratch_operands = 0 : i64, tpu.core_type = #tpu.core_type<tc>, window_params = [{transform_indices = @transform_0, window_bounds = array<i64: 1000, 128>}, {pipeline_mode = #tpu.pipeline_mode<synchronous>, transform_indices = @transform_1, window_bounds = array<i64: 128, 128>}, {pipeline_mode = #tpu.pipeline_mode<synchronous>, transform_indices = @transform_2, window_bounds = array<i64: 1, 128>}, {transform_indices = @transform_3, window_bounds = array<i64: 1000, 128>}]} {
    %get3A = arith.constant 0 : index
    %get3A_0 = arith.constant 0 : index
    %get3A_1 = vector.load %arg1[%get3A, %get3A_0] : memref<1000x128xf32, #tpu.memory_space<vmem>>, vector<1000x128xf32>
    %mul3A = arith.mulf %get3A_1, %get3A_1 : vector<1000x128xf32>
    %reduce_sum3A = arith.constant dense<0.000000e+00> : vector<1000xf32>
    %reduce_sum3A_2 = vector.multi_reduction <add>, %mul3A, %reduce_sum3A [1] : vector<1000x128xf32> to vector<1000xf32>
    %broadcast_in_dim3A = vector.shape_cast %reduce_sum3A_2 : vector<1000xf32> to vector<1000x1xf32>
    %sqrt3A = math.sqrt %broadcast_in_dim3A : vector<1000x1xf32>
    %min3A = arith.constant 0.99999988 : f32
    %min3A_3 = vector.broadcast %min3A : f32 to vector<1000x1xf32>
    %min3A_4 = arith.minimumf %sqrt3A, %min3A_3 : vector<1000x1xf32>
    %add3A = arith.constant 1.000000e+00 : f32
    %add3A_5 = vector.broadcast %add3A : f32 to vector<1000x1xf32>
    %add3A_6 = arith.addf %add3A_5, %min3A_4 : vector<1000x1xf32>
    %sub3A = arith.constant 1.000000e+00 : f32
    %sub3A_7 = vector.broadcast %sub3A : f32 to vector<1000x1xf32>
    %sub3A_8 = arith.subf %sub3A_7, %min3A_4 : vector<1000x1xf32>
    %div3A = arith.divf %add3A_6, %sub3A_8 : vector<1000x1xf32>
    %log3A = math.log %div3A : vector<1000x1xf32>
    %mul3A_9 = arith.constant 5.000000e-01 : f32
    %mul3A_10 = vector.broadcast %mul3A_9 : f32 to vector<1000x1xf32>
    %mul3A_11 = arith.mulf %mul3A_10, %log3A : vector<1000x1xf32>
    %max3A = arith.constant 1.000000e-15 : f32
    %max3A_12 = vector.broadcast %max3A : f32 to vector<1000x1xf32>
    %max3A_13 = arith.maximumf %sqrt3A, %max3A_12 : vector<1000x1xf32>
    %div3A_14 = arith.divf %mul3A_11, %max3A_13 : vector<1000x1xf32>
    %mul3A_15 = vector.broadcast %div3A_14 : vector<1000x1xf32> to vector<1000x128xf32>
    %mul3A_16 = arith.mulf %get3A_1, %mul3A_15 : vector<1000x128xf32>
    %get3A_17 = arith.constant 0 : index
    %get3A_18 = arith.constant 0 : index
    %get3A_19 = vector.load %arg2[%get3A_17, %get3A_18] : memref<128x128xf32, #tpu.memory_space<vmem>>, vector<128x128xf32>
    %dot_general3A = arith.constant dense<0.000000e+00> : vector<1000x128xf32>
    %dot_general3A_20 = tpu.matmul %mul3A_16, %get3A_19, %dot_general3A {dimension_numbers = #tpu.dot_dimension_numbers<[1], [1], [0], [0], [0, 0, 1, 0], [], []>, transpose_lhs_hint = false} : vector<1000x128xf32>, vector<128x128xf32>, vector<1000x128xf32> -> vector<1000x128xf32>
    %get3A_21 = arith.constant 0 : index
    %get3A_22 = arith.constant 0 : index
    %get3A_23 = vector.load %arg3[%get3A_21, %get3A_22] : memref<1x128xf32, #tpu.memory_space<vmem>>, vector<1x128xf32>
    %add3A_24 = vector.broadcast %get3A_23 : vector<1x128xf32> to vector<1000x128xf32>
    %add3A_25 = arith.addf %dot_general3A_20, %add3A_24 : vector<1000x128xf32>
    %swap3A = arith.constant 0 : index
    %swap3A_26 = arith.constant 0 : index
    %swap3A_27 = vector.load %arg4[%swap3A, %swap3A_26] : memref<1000x128xf32, #tpu.memory_space<vmem>>, vector<1000x128xf32>
    tpu.vector_store %arg4[%swap3A, %swap3A_26], %add3A_25 {strides = array<i32>} : memref<1000x128xf32, #tpu.memory_space<vmem>>, vector<1000x128xf32>,
    return
  }
  func.func @transform_0(%arg0: i32) -> (i32, i32) {
    %c0_i32 = arith.constant 0 : i32
    %c0_i32_0 = arith.constant 0 : i32
    return %arg0, %c0_i32 : i32, i32
  }
  func.func @transform_1(%arg0: i32) -> (i32, i32) {
    %c0_i32 = arith.constant 0 : i32
    %c0_i32_0 = arith.constant 0 : i32
    %c0_i32_1 = arith.constant 0 : i32
    return %c0_i32, %c0_i32_0 : i32, i32
  }
  func.func @transform_2(%arg0: i32) -> (i32, i32) {
    %c0_i32 = arith.constant 0 : i32
    %c0_i32_0 = arith.constant 0 : i32
    %c0_i32_1 = arith.constant 0 : i32
    return %c0_i32, %c0_i32_0 : i32, i32
  }
  func.func @transform_3(%arg0: i32) -> (i32, i32) {
    %c0_i32 = arith.constant 0 : i32
    %c0_i32_0 = arith.constant 0 : i32
    return %arg0, %c0_i32 : i32, i32
  }
}

module attributes {stable_mosaic.version = 14 : i64} {
  func.func @_finalize_body(%arg0: i32, %arg1: memref<2x1000x128xf32, #tpu.memory_space<vmem>>, %arg2: memref<1000x2xf32, #tpu.memory_space<vmem>>, %arg3: memref<1000x128xf32, #tpu.memory_space<vmem>>) attributes {dimension_semantics = [#tpu.dimension_semantics<arbitrary>], iteration_bounds = array<i64: 10>, scalar_prefetch = 0 : i64, scratch_operands = 0 : i64, tpu.core_type = #tpu.core_type<tc>, window_params = [{transform_indices = @transform_0, window_bounds = array<i64: 2, 1000, 128>}, {transform_indices = @transform_1, window_bounds = array<i64: 1000, 2>}, {transform_indices = @transform_2, window_bounds = array<i64: 1000, 128>}]} {
    %get3A = arith.constant 0 : index
    %get3A_0 = arith.constant 0 : index
    %get3A_1 = arith.constant 0 : index
    %get3A_2 = vector.load %arg1[%get3A, %get3A_0, %get3A_1] : memref<2x1000x128xf32, #tpu.memory_space<vmem>>, vector<1x1000x128xf32>
    %get3A_3 = vector.shape_cast %get3A_2 : vector<1x1000x128xf32> to vector<1000x128xf32>
    %get3A_4 = arith.constant 1 : index
    %get3A_5 = arith.constant 0 : index
    %get3A_6 = arith.constant 0 : index
    %get3A_7 = vector.load %arg1[%get3A_4, %get3A_5, %get3A_6] : memref<2x1000x128xf32, #tpu.memory_space<vmem>>, vector<1x1000x128xf32>
    %get3A_8 = vector.shape_cast %get3A_7 : vector<1x1000x128xf32> to vector<1000x128xf32>
    %add3A = arith.addf %get3A_3, %get3A_8 : vector<1000x128xf32>
    %get3A_9 = arith.constant 0 : index
    %get3A_10 = arith.constant 0 : index
    %get3A_11 = vector.load %arg2[%get3A_9, %get3A_10] : memref<1000x2xf32, #tpu.memory_space<vmem>>, vector<1000x2xf32>
    %reduce_sum3A = arith.constant dense<0.000000e+00> : vector<1000xf32>
    %reduce_sum3A_12 = vector.multi_reduction <add>, %get3A_11, %reduce_sum3A [1] : vector<1000x2xf32> to vector<1000xf32>
    %broadcast_in_dim3A = vector.shape_cast %reduce_sum3A_12 : vector<1000xf32> to vector<1000x1xf32>
    %max3A = arith.constant 1.000000e+00 : f32
    %max3A_13 = vector.broadcast %max3A : f32 to vector<1000x1xf32>
    %max3A_14 = arith.maximumf %broadcast_in_dim3A, %max3A_13 : vector<1000x1xf32>
    %div3A = vector.broadcast %max3A_14 : vector<1000x1xf32> to vector<1000x128xf32>
    %div3A_15 = arith.divf %add3A, %div3A : vector<1000x128xf32>
    %mul3A = arith.mulf %div3A_15, %div3A_15 : vector<1000x128xf32>
    %reduce_sum3A_16 = arith.constant dense<0.000000e+00> : vector<1000xf32>
    %reduce_sum3A_17 = vector.multi_reduction <add>, %mul3A, %reduce_sum3A_16 [1] : vector<1000x128xf32> to vector<1000xf32>
    %broadcast_in_dim3A_18 = vector.shape_cast %reduce_sum3A_17 : vector<1000xf32> to vector<1000x1xf32>
    %sqrt3A = math.sqrt %broadcast_in_dim3A_18 : vector<1000x1xf32>
    %tanh3A = math.tanh %sqrt3A : vector<1000x1xf32>
    %mul3A_19 = vector.broadcast %tanh3A : vector<1000x1xf32> to vector<1000x128xf32>
    %mul3A_20 = arith.mulf %mul3A_19, %div3A_15 : vector<1000x128xf32>
    %max3A_21 = arith.constant 1.000000e-15 : f32
    %max3A_22 = vector.broadcast %max3A_21 : f32 to vector<1000x1xf32>
    %max3A_23 = arith.maximumf %sqrt3A, %max3A_22 : vector<1000x1xf32>
    %div3A_24 = vector.broadcast %max3A_23 : vector<1000x1xf32> to vector<1000x128xf32>
    %div3A_25 = arith.divf %mul3A_20, %div3A_24 : vector<1000x128xf32>
    %swap3A = arith.constant 0 : index
    %swap3A_26 = arith.constant 0 : index
    %swap3A_27 = vector.load %arg3[%swap3A, %swap3A_26] : memref<1000x128xf32, #tpu.memory_space<vmem>>, vector<1000x128xf32>
    tpu.vector_store %arg3[%swap3A, %swap3A_26], %div3A_25 {strides = array<i32>} : memref<1000x128xf32, #tpu.memory_space<vmem>>, vector<1000x128xf32>,
    return
  }
  func.func @transform_0(%arg0: i32) -> (i32, i32, i32) {
    %c0_i32 = arith.constant 0 : i32
    %c0_i32_0 = arith.constant 0 : i32
    %c0_i32_1 = arith.constant 0 : i32
    return %c0_i32, %arg0, %c0_i32_0 : i32, i32, i32
  }
  func.func @transform_1(%arg0: i32) -> (i32, i32) {
    %c0_i32 = arith.constant 0 : i32
    %c0_i32_0 = arith.constant 0 : i32
    return %arg0, %c0_i32 : i32, i32
  }
  func.func @transform_2(%arg0: i32) -> (i32, i32) {
    %c0_i32 = arith.constant 0 : i32
    %c0_i32_0 = arith.constant 0 : i32
    return %arg0, %c0_i32 : i32, i32
  }
}

</mosaic_0001>

<sc_bundles>
// kernel: kernel.5.cloned.1.call-start
scs
__scs_entry_jumppad:
0x0: {  	(pc) =	sbr.rel $0x88, $3  }
0x1: {  	(tag) =	ssettag $0x0;
	lr =	simm.s32 $0x1  }
0x2: {  	[smem:$0x3F9D] =	sst lr;
	_ =	strace $0xD0000000  }
0x3: {  	_ = 	snop  }
0x4: {  	_ = 	snop  }
0x5: {  	_ = 	snop  }
0x6: {  	_ = 	snop  }
0x7: {  	_ = 	snop  }
__scs_overlays_trampoline_lowered:
0x8: {  	[smem:$0x3FAC] =	sst s0  }
0x9: {  	[smem:$0x3FAD] =	sst s1  }
0xa: {  	[smem:$0x3FAE] =	sst s2  }
0xb: {  	[smem:$0x3FAF] =	sst s3  }
0xc: {  	[smem:$0x3FB0] =	sst s4  }
0xd: {  	[smem:$0x3FB1] =	sst s5  }
0xe: {  	[smem:$0x3FB2] =	sst s6  }
0xf: {  	[smem:$0x3FB3] =	sst s7  }
0x10: {  	[smem:$0x3FB4] =	sst s8  }
0x11: {  	[smem:$0x3FB5] =	sst s9;
	s0 =	simm.s32 @!p0 $0x0  }
0x12: {  	s1 =	sld [smem:$0x3F9B];
	s0 =	simm.s32 @p0 $0x1  }
0x13: {  	[smem:$0x3FB6] =	sst s0;
	s0 =	simm.s32 @!p1 $0x0  }
0x14: {  	s2 =	sld [smem:$0x3F9A];
	s0 =	simm.s32 @p1 $0x1  }
0x15: {  	[smem:$0x3FB7] =	sst s0;
	s0 =	simm.s32 @!p2 $0x0  }
0x16: {  	s3 =	sld [smem:$0x3FDB];
	s0 =	simm.s32 @p2 $0x1  }
0x17: {  	s4 =	simm.s32 $0x1BF5;
	[smem:$0x3FB9] =	sst s0  }
0x18: {  	s0 =	sld [smem:$0x3F9C];
	_ =	swait.ge [sflag:s4], $0x0  }
0x19: {  	s7 =	sld [smem:$0x3F9D]  }
0x1a: {  	s8 =	sadd.s32 $0xFFFFE003, lr  }
0x1b: {  	s9 =	sadd.s32 $0xFFFFFEF7, lr;
	s5 =	simm.s32 $0xFFFFFFFF;
	p2 =	slt.u32 s8, $0xFFFFF086  }
0x1c: {  	p1 =	slt.u32 s9, $0xF7A;
	s5 =	simm.s32 @!p2 $0x0  }
0x1d: {  	s5 =	simm.s32 @p1 $0x1;
	p0 =	seq.s32 s7, s2  }
0x1e: {  	s7 =	smul.u32 @!p0 $0xF7A, s2;
	p2 =	seq.s32 @!p0 s5, $0x0  }
0x1f: {  	s9 =	smul.u32 $0xF7A, s1;
	s8 =	simm.s32 @!p0 $0x1BF5;
	p2 =	por !p2, p0  }
0x20: {  	[sflag:s8] =	ssyncset.s32 @!p0 $0xFFFFF086;
	s6 =	sadd.s32 @!p0 s3, s7;
	s7 =	simm.s32 @!p0 $0x108  }
0x21: {  	s3 =	sadd.s32 s3, s9;
	s6 =	sadd.s32 @!p0 $0x88, s6;
	s7 =	simm.s32 @p2 $0x1082  }
0x22: {  	[simem:s7], [sflag:s8] =	dma.local @!p0 [hbm:s6], $0xF7A  }
0x23: {  	s9 =	sor.u32 $0xD0000000, s2;
	s6 =	simm.s32 $0x108;
	_ =	swait.ge @!p0 [sflag:s8], $0x0  }
0x24: {  	s3 =	sadd.s32 $0x88, s3;
	s6 =	simm.s32 @!p1 $0x1082;
	[sflag:s4] =	ssyncset.s32 $0xFFFFF086  }
0x25: {  	[simem:s6], [sflag:s4] =	dma.local [hbm:s3], $0xF7A  }
0x26: {  	[smem:$0x3F9D] =	sst s1;
	(tag) =	ssettag s2;
	_ =	strace s9  }
0x27: {  	s1 =	sld [smem:$0x3FAD]  }
0x28: {  	s2 =	sld [smem:$0x3FAE]  }
0x29: {  	s4 =	sld [smem:$0x3FB0]  }
0x2a: {  	p0 =	seq.s32 s5, $0x0;
	s5 =	sld [smem:$0x3FB1]  }
0x2b: {  	s6 =	sld [smem:$0x3FB2]  }
0x2c: {  	s7 =	sld [smem:$0x3FB3]  }
0x2d: {  	s3 =	simm.s32 $0x108;
	s8 =	sld [smem:$0x3FB4]  }
0x2e: {  	s3 =	simm.s32 @!p0 $0x1082;
	s9 =	sld [smem:$0x3FB5]  }
0x2f: {  	lr =	sadd.s32 s0, s3;
	s0 =	sld [smem:$0x3FAC]  }
0x30: {  	s3 =	sld [smem:$0x3FAF]  }
0x31: {  	[smem:$0x3FB8] =	sst s10  }
0x32: {  	s10 =	sld [smem:$0x3FB6];
	_ =	sdelay $0x3  }
0x33: {  	p0 =	seq.s32 s10, $0x1;
	s10 =	sld [smem:$0x3FB8];
	_ =	sdelay $0x3  }
0x34: {  	[smem:$0x3FB8] =	sst s10  }
0x35: {  	s10 =	sld [smem:$0x3FB7];
	_ =	sdelay $0x3  }
0x36: {  	p1 =	seq.s32 s10, $0x1;
	s10 =	sld [smem:$0x3FB8];
	_ =	sdelay $0x3  }
0x37: {  	[smem:$0x3FB8] =	sst s10  }
0x38: {  	s10 =	sld [smem:$0x3FB9]  }
0x39: {  	_ = 	snop;
	(pc) =	sbr.ind lr, $3  }
0x3a: {  	_ = 	snop  }
0x3b: {  	_ = 	snop  }
0x3c: {  	p2 =	seq.s32 s10, $0x1;
	s10 =	sld [smem:$0x3FB8]  }
0x3d: {  	_ =	shalt  }
0x3e: {  	_ =	shalt  }
0x3f: {  	_ =	shalt  }
0x40: {  	_ =	shalt  }
0x41: {  	_ =	shalt  }
0x42: {  	_ =	shalt  }
0x43: {  	_ =	shalt  }
0x44: {  	_ =	shalt  }
0x45: {  	_ =	shalt  }
0x46: {  	_ =	shalt  }
0x47: {  	_ =	shalt  }
0x48: {  	_ =	shalt  }
0x49: {  	_ =	shalt  }
0x4a: {  	_ =	shalt  }
0x4b: {  	_ =	shalt  }
0x4c: {  	_ =	shalt  }
0x4d: {  	_ =	shalt  }
0x4e: {  	_ =	shalt  }
0x4f: {  	_ =	shalt  }
0x50: {  	_ =	shalt  }
0x51: {  	_ =	shalt  }
0x52: {  	_ =	shalt  }
0x53: {  	_ =	shalt  }
0x54: {  	_ =	shalt  }
0x55: {  	_ =	shalt  }
0x56: {  	_ =	shalt  }
0x57: {  	_ =	shalt  }
0x58: {  	_ =	shalt  }
0x59: {  	_ =	shalt  }
0x5a: {  	_ =	shalt  }
0x5b: {  	_ =	shalt  }
0x5c: {  	_ =	shalt  }
0x5d: {  	_ =	shalt  }
0x5e: {  	_ =	shalt  }
0x5f: {  	_ =	shalt  }
0x60: {  	_ =	shalt  }
0x61: {  	_ =	shalt  }
0x62: {  	_ =	shalt  }
0x63: {  	_ =	shalt  }
0x64: {  	_ =	shalt  }
0x65: {  	_ =	shalt  }
0x66: {  	_ =	shalt  }
0x67: {  	_ =	shalt  }
0x68: {  	_ =	shalt  }
0x69: {  	_ =	shalt  }
0x6a: {  	_ =	shalt  }
0x6b: {  	_ =	shalt  }
0x6c: {  	_ =	shalt  }
0x6d: {  	_ =	shalt  }
0x6e: {  	_ =	shalt  }
0x6f: {  	_ =	shalt  }
0x70: {  	_ =	shalt  }
0x71: {  	_ =	shalt  }
0x72: {  	_ =	shalt  }
0x73: {  	_ =	shalt  }
0x74: {  	_ =	shalt  }
0x75: {  	_ =	shalt  }
0x76: {  	_ =	shalt  }
0x77: {  	_ =	shalt  }
0x78: {  	_ =	shalt  }
0x79: {  	_ =	shalt  }
0x7a: {  	_ =	shalt  }
0x7b: {  	_ =	shalt  }
0x7c: {  	_ =	shalt  }
0x7d: {  	_ =	shalt  }
0x7e: {  	_ =	shalt  }
0x7f: {  	_ =	shalt  }
0x80: {  	_ =	shalt  }
0x81: {  	_ =	shalt  }
0x82: {  	_ =	shalt  }
0x83: {  	_ =	shalt  }
0x84: {  	_ =	shalt  }
0x85: {  	_ =	shalt  }
0x86: {  	_ =	shalt  }
0x87: {  	_ =	shalt  }
.Lfunc_end0:
.L_simem_size_0:
called_computation_lowered:
.L_overlay_start_0:
0x88: {  	s2 =	sld [smem:$0x3FD9]  }
0x89: {  	s3 =	sld [smem:$0x3FFE];
	_ =	sdelay $0x1  }
0x8a: {  	s1 =	srdreg.scid  }
0x8b: {  	s0 =	sand.u32 $0x1, s1  }
0x8c: {  	s17 =	sshll.u32 s0, $0xA;
	s2 =	sadd.s32 s3, s2  }
0x8d: {  	s2 =	sadd.s32 s2, s17  }
0x8e: {  	[smem:$0x3FC4] =	sst s2  }
0x8f: {  	_ = 	snop  }
0x90: {  	s2 =	sld [smem:$0x3FD0];
	(tm) =	ssettm $0x1  }
0x91: {  	s18 =	sld [smem:$0x3FFB];
	_ =	sdelay $0x3  }
0x92: {  	_ =	strace s18  }
0x93: {  	s3 =	sld [smem:$0x3FFC];
	_ =	sdelay $0x3  }
0x94: {  	_ =	strace s3  }
0x95: {  	s3 =	sld [smem:$0x3FFD];
	_ =	sdelay $0x3  }
0x96: {  	_ =	strace s3  }
0x97: {  	_ =	strace $0x8FFFFFFF  }
0x98: {  	s19 =	sld [smem:$0x3FDB];
	_ =	sdelay $0x1  }
0x99: {  	s4 =	simm.s32 $_scs_section_size  }
0x9a: {  	s5 =	simm.s32 $_size__tile_overlayer_lowered;
	s6 =	simm.s32 $_tile_overlayer_lowered  }
0x9b: {  	s22 =	simm.s32 $0x1BFF;
	s21 =	sshll.u32 s6, $0x1;
	s3 =	sadd.s32 s4, s19  }
0x9c: {  	s7 =	simm.s32 $0x0;
	s20 =	sshll.u32 s5, $0x1;
	s5 =	sadd.s32 s21, s3  }
0x9d: {  	[timem:s7], [sflag:s22] =	dma.local [hbm:s5], s20  }
0x9e: {  	_ =	swait.ge [sflag:s22], s20  }
0x9f: {  	s4 =	ssub.s32 $0x0, s20;
	[sflag:s22] =	ssyncset.done $0x0  }
0xa0: {  	[sflag:s22] =	ssyncadd.s32 s4;
	_ =	sdelay $0x1  }
0xa1: {  	s23 =	simm.s32 $0x1B8B  }
0xa2: {  	_ =	swait.ge [sflag:s23], $0x1  }
0xa3: {  	[sflag:s23] =	ssyncset.done $0x0  }
0xa4: {  	s25 =	simm.s32 $0x1B8E;
	s24 =	sld [smem:$0x3FFE];
	[sflag:s23] =	ssyncadd.s32 $0xFFFFFFFF  }
0xa5: {  	s26 =	simm.s32 $execute0_lowered;
	[smem:$0x3FD2] =	sst s25  }
0xa6: {  	s5 =	sshll.u32 s26, $0x1;
	_ =	strace $0x80000046;
	[dreg:$0x1] =	wrdreg $0xFFFFFFFF  }
0xa7: {  	s28 =	simm.s32 $_size_execute0_lowered;
	s3 =	sadd.s32 s3, s5;
	[dreg:$0x0] =	wrdreg $0x0  }
0xa8: {  	s5 =	sshll.u32 s28, $0x1;
	[dreg:$0x2] =	wrdreg s3  }
0xa9: {  	[dreg:$0x3] =	wrdreg s5  }
0xaa: {  	[dreg:$0x4] =	wrdreg $0xC0  }
0xab: {  	_ =	task [dreg:s7], $0x5FFFF  }
0xac: {  	[dreg:$0x1] =	wrdreg $0xFFFFFFFF  }
0xad: {  	[dreg:$0x0] =	wrdreg $0x60  }
0xae: {  	[dreg:$0x2] =	wrdreg s2  }
0xaf: {  	[dreg:$0x3] =	wrdreg s24  }
0xb0: {  	[dreg:$0x4] =	wrdreg $0x0  }
0xb1: {  	[dreg:$0x5] =	wrdreg $0x138800  }
0xb2: {  	[dreg:$0x6] =	wrdreg $0x9  }
0xb3: {  	_ =	task.clear_ibuf [dreg:s7], $0x7FFFF;
	_ =	strace $0x90000046  }
0xb4: {  	s29 =	simm.s32 $0x9;
	_ =	strace $0x80000048  }
0xb5: {  	_ =	swait.ge [sflag:s29], $0x1  }
0xb6: {  	[sflag:s29] =	ssyncadd.s32 $0xFFFFFFFF  }
0xb7: {  	_ =	strace $0x90000048  }
0xb8: {  	_ =	sfence  }
0xb9: {  	s30 =	sld [smem:$0x0];
	_ =	sdelay $0x2  }
0xba: {  	s31 =	sshll.u32 s1, $0xD;
	s1 =	sshrl.u32 s1, $0x2  }
0xbb: {  	s3 =	sand.u32 $0x4000, s31;
	s1 =	sadd.s32 s1, s30  }
0xbc: {  	s0 =	sor.u32 s3, s0;
	s1 =	sshll.u32 s1, $0x11  }
0xbd: {  	s0 =	sor.u32 s1, s0  }
0xbe: {  	s0 =	sadd.s32 $0x8F2B, s0  }
0xbf: {  	[sflag:s0] =	ssyncadd.remote.s32 $0x1  }
0xc0: {  	_ =	sfence.sel $0xFFFF  }
0xc1: {  	[dreg:$0x0] =	wrdreg $0xFFFFFFFF;
	(pc) =	sbr.abs _section_cstart, $3  }
0xc2: {  	[dreg:$0x1] =	wrdreg $0xFFFFFFFF  }
0xc3: {  	_ =	task.clear_ibuf [dreg:s7], $0x2FFFF;
	_ =	strace $0x9FFFFFFF  }
0xc4: {  	(tm) =	ssettm $0x7FFFFFFF  }
0xc5: {  	_ =	shalt  }
tec
execute0_lowered:
.L_overlay_start_1:
0x0: {  	(tag) =	ssettag $0x1  }
0x1: {  	s0 =	rddreg [dreg:$0x0]  }
0x2: {  	s2 =	rddreg [dreg:$0x1]  }
0x3: {  	s1 =	srdreg.scid;
	s3 =	rddreg [dreg:$0x2]  }
0x4: {  	s17 =	stileid.u32;
	s4 =	rddreg [dreg:$0x3]  }
0x5: {  	s6 =	simm.s32 $0x0;
	s28 =	simm.s32 $0x13C78;
	s30 =	simm.s32 $0x7D  }
0x6: {  	s31 =	simm.s32 $0x164F8;
	s1 =	sand.u32 $0x1, s1;
	s9 =	smul.u32 $0x13800, s17  }
0x7: {  	[smem:$0x7FF] =	sst s6;
	s7 =	sadd.s32 $0xB000, s2;
	s13 =	sadd.s32 $0x15000, s2  }
0x8: {  	s14 =	smul.u32 $0x4E000, s17;
	s15 =	sadd.s32 $0x3D200, s2;
	s21 =	sadd.s32 $0x138000, s3  }
0x9: {  	p0 =	sne.s32 s17, $0x0;
	s8 =	sshll.u32 s1, $0x4;
	_ =	strace $0x80000047  }
0xa: {  	[dreg:$0x5] =	wrdreg s13;
	s19 =	ssub.s32 $0x2, s1;
	s1 =	smul.u32 $0x138800, s1  }
0xb: {  	[dreg:$0x9] =	wrdreg s21;
	s5 =	sor.u32 s17, s8;
	s11 =	sshrl.u32 s9, $0x3  }
0xc: {  	s8 =	sadd.s32 s8, s2;
	s16 =	sshrl.u32 s19, $0x1;
	s20 =	sshrl.u32 s14, $0x2  }
0xd: {  	s5 =	smul.u32 $0x2800, s5;
	s11 =	sadd.s32 s11, s2;
	s13 =	ssub.s32 s19, s16  }
0xe: {  	s24 =	sadd.s32 s9, s1;
	s1 =	sshrl.u32 s1, $0x3;
	s26 =	sadd.s32 $0x3C800, s8  }
0xf: {  	s8 =	simm.s32 $0x6;
	s9 =	simm.s32 $0x1E4F8;
	s11 =	sadd.s32 $0x15600, s11  }
0x10: {  	[dreg:$0x10] =	wrdreg s26;
	s1 =	sadd.s32 s15, s1;
	s29 =	smax.u32 s13, $0x1  }
0x11: {  	s26 =	simm.s32 $0x13BF8;
	s13 =	simm.s32 $0x0;
	[dreg:$0x8] =	wrdreg s11  }
0x12: {  	s10 =	sshrl.u32 s5, $0x3;
	s1 =	sadd.s32 $0x27000, s1;
	[dreg:$0x12] =	wrdreg s29  }
0x13: {  	s12 =	sadd.s32 s10, s2;
	s2 =	sadd.s32 $0x3C600, s2;
	[dreg:$0x11] =	wrdreg s1  }
0x14: {  	s11 =	simm.s32 $0x7;
	s10 =	sadd.s32 s7, s10;
	[dreg:$0xa] =	wrdreg s2  }
0x15: {  	s1 =	simm.s32 $0x1A4F8;
	s12 =	sadd.s32 $0x1000, s12;
	[dreg:$0xb] =	wrdreg s10  }
0x16: {  	s22 =	sadd.s32 $0x10, s10;
	s23 =	sadd.s32 $0x20, s10;
	[dreg:$0x6] =	wrdreg s12  }
0x17: {  	s25 =	sadd.s32 $0x30, s10;
	s2 =	sshrl.u32 s24, $0x3;
	[dreg:$0xc] =	wrdreg s22  }
0x18: {  	s10 =	simm.s32 $0x2;
	s12 =	sadd.s32 s20, s3;
	[dreg:$0xd] =	wrdreg s23  }
0x19: {  	[dreg:$0xe] =	wrdreg s25;
	s2 =	sadd.s32 s15, s2;
	s23 =	simm.s32 $0x8  }
0x1a: {  	s25 =	simm.s32 $0x13B78;
	s22 =	simm.s32 $0x1;
	[dreg:$0x7] =	wrdreg s12  }
0x1b: {  	v0 =	vimm.f32 $1.000000000e+00;
	[dreg:$0xf] =	wrdreg s2;
	s2 =	simm.s32 $0x5;
	s12 =	simm.s32 $0x3  }
.LBB2_1:
0x1c: {  	s14 =	rddreg [dreg:$0x6];
	s15 =	simm.s32 $0x13CF8;
	s19 =	stileid.u32  }
0x1d: {  	[tilespmem:s15], [sflag:$0x8] =	stream.linear.gather [hbm4b:s14+s6], $0x2800, $0x38;
	[tilespmem:$0x1E578] =	vst v63  }
0x1e: {  	s20 =	sshll.u32 s19, $0x6;
	_ =	swait.ge [sflag:s23], $0x2800  }
0x1f: {  	s15 =	sor.u32 $0x1C08, s20;
	[sflag:s23] =	ssyncset.done $0x0;
	s21 =	rddreg [dreg:$0x7]  }
0x20: {  	s24 =	rddreg [dreg:$0x8];
	[sflag:s23] =	ssyncadd.s32 $0xFFFFD800;
	s18 =	sshrl.u32 s21, $0x3  }
0x21: {  	[spmem:s18], [sflag:s15] =	dma.local [hbm:s24], $0x2700  }
0x22: {  	_ =	swait.ge [sflag:s23], $0x2700  }
0x23: {  	s16 =	sshrl.u32 @!p0 s4, $0x3;
	[sflag:s23] =	ssyncset.done $0x0  }
0x24: {  	s19 =	simm.s32 @!p0 $0x8;
	s14 =	rddreg [dreg:$0x5];
	[sflag:s23] =	ssyncadd.s32 $0xFFFFD900  }
0x25: {  	[spmem:s16], [sflag:s15] =	dma.local @!p0 [hbm:s14], $0x4F0  }
0x26: {  	_ =	swait.ge @!p0 [sflag:s19], $0x4F0  }
0x27: {  	[sflag:s19] =	ssyncset.done @!p0 $0x0;
	s14 =	rddreg [dreg:$0x9]  }
0x28: {  	[sflag:s19] =	ssyncadd.s32 @!p0 $0xFFFFFB10;
	s17 =	sshrl.u32 @!p0 s14, $0x3;
	s14 =	rddreg [dreg:$0xa]  }
0x29: {  	[spmem:s17], [sflag:s15] =	dma.local @!p0 [hbm:s14], $0x100  }
0x2a: {  	_ =	swait.ge @!p0 [sflag:s19], $0x100  }
0x2b: {  	[sflag:s19] =	ssyncset.done @!p0 $0x0  }
0x2c: {  	[sflag:s19] =	ssyncadd.s32 @!p0 $0xFFFFFF00  }
0x2d: {  	[tilespmem:$0x1E4F8] =	vst v0  }
0x2e: {  	[tilespmem:$0x1E508] =	vst v0  }
0x2f: {  	[tilespmem:$0x1E518] =	vst v0  }
0x30: {  	[tilespmem:$0x1E528] =	vst v0  }
0x31: {  	[tilespmem:$0x1E538] =	vst v0  }
0x32: {  	[tilespmem:$0x1E548] =	vst v0  }
0x33: {  	[tilespmem:$0x1E558] =	vst v0  }
0x34: {  	[tilespmem:$0x1E568] =	vst v0  }
0x35: {  	[bflag:$0x0] =	sbarrier.arrive $0xFFFF  }
0x36: {  	s19 =	simm.s32 $0x13AF8;
	s29 =	rddreg [dreg:$0xb]  }
0x37: {  	[tilespmem:s19], [sflag:$0x4] =	stream.linear.gather [hbm4b:s29+s6], $0x7D, $0x38;
	[tilespmem:$0x1E578] =	vst v63  }
0x38: {  	s20 =	rddreg [dreg:$0xc]  }
0x39: {  	[tilespmem:s25], [sflag:$0x5] =	stream.linear.gather [hbm4b:s20+s6], $0x7D, $0x38;
	[tilespmem:$0x1E578] =	vst v63  }
0x3a: {  	s21 =	rddreg [dreg:$0xd]  }
0x3b: {  	[tilespmem:s26], [sflag:$0x6] =	stream.linear.gather [hbm4b:s21+s6], $0x7D, $0x38;
	[tilespmem:$0x1E578] =	vst v63  }
0x3c: {  	s24 =	rddreg [dreg:$0xe];
	s29 =	simm.s32 $0x4  }
0x3d: {  	[tilespmem:s28], [sflag:$0x7] =	stream.linear.gather [hbm4b:s24+s6], $0x7D, $0x38;
	[tilespmem:$0x1E578] =	vst v63  }
0x3e: {  	_ =	swait.ge [sflag:s29], $0x7D  }
0x3f: {  	[sflag:s29] =	ssyncset.done $0x0  }
0x40: {  	[sflag:s29] =	ssyncadd.s32 $0xFFFFFF83  }
0x41: {  	[tilespmem:s31], [sflag:$0x1] =	stream.indirect.gather [hbm4b:s0+s30], $0x80, s19, s30, $0xb8;
	[tilespmem:$0x1E578] =	vst v63  }
0x42: {  	_ =	swait.ge [sflag:s2], $0x7D  }
0x43: {  	[sflag:s2] =	ssyncset.done $0x0  }
0x44: {  	s20 =	simm.s32 $0x380;
	s19 =	simm.s32 $0x13E78;
	[sflag:s2] =	ssyncadd.s32 $0xFFFFFF83  }
0x45: {  	[tilespmem:s1], [sflag:$0x2] =	stream.indirect.gather [hbm4b:s0+s30], $0x80, s25, s30, $0xb8;
	[tilespmem:$0x1E578] =	vst v63  }
.LBB2_2:
0x46: {  	_ =	swait.ge [sflag:s22], $0x3E80  }
0x47: {  	[sflag:s22] =	ssyncset.done $0x0  }
0x48: {  	s21 =	sadd.s32 $0xFFFFFE80, s19;
	[sflag:s22] =	ssyncadd.s32 $0xFFFFC180  }
0x49: {  	[spmem:s3] =	stream.indirect.scatter.add.f32 [tilespmem:s31], [sflag:$0x8], $0x80, s21, s30, $0xb8;
	[tilespmem:$0x1E578] =	vst v63  }
0x4a: {  	_ =	swait.ge [sflag:s23], $0x3E80  }
0x4b: {  	[sflag:s23] =	ssyncset.done $0x0  }
0x4c: {  	[sflag:s23] =	ssyncadd.s32 $0xFFFFC180  }
0x4d: {  	_ =	swait.ge [sflag:s8], $0x7D  }
0x4e: {  	[sflag:s8] =	ssyncset.done $0x0  }
0x4f: {  	[sflag:s8] =	ssyncadd.s32 $0xFFFFFF83  }
0x50: {  	[tilespmem:s31], [sflag:$0x1] =	stream.indirect.gather [hbm4b:s0+s30], $0x80, s26, s30, $0xb8;
	[tilespmem:$0x1E578] =	vst v63  }
0x51: {  	p1 =	seq.s32 s20, $0x2980  }
0x52: {  	[spmem:s4] =	stream.indirect.scatter.add.f32 [tilespmem:s9], [sflag:$0x3], $0x1, s21, s30, $0xb8;
	[tilespmem:$0x1E578] =	vst v63  }
0x53: {  	s21 =	sadd.s32 @!p1 $0xFFFFFE80, s20  }
0x54: {  	s24 =	sand.u32 @!p1 $0x7C00, s21  }
0x55: {  	s21 =	sand.u32 @!p1 $0x200, s21;
	s24 =	sadd.s32 @!p1 s5, s24  }
0x56: {  	s21 =	sor.u32 @!p1 s21, s24  }
0x57: {  	s21 =	sshrl.u32 @!p1 s21, $0x3  }
0x58: {  	s14 =	simm.s32 @!p1 $0x13AF8;
	s24 =	simm.s32 @!p1 $0x0;
	s21 =	sadd.s32 @!p1 s7, s21  }
0x59: {  	[tilespmem:s14], [sflag:$0x4] =	stream.linear.gather @!p1 [hbm4b:s21+s24], $0x7D, $0x38;
	[tilespmem:$0x1E578] =	vst v63  }
0x5a: {  	_ =	swait.ge [sflag:s10], $0x3E80  }
0x5b: {  	[sflag:s10] =	ssyncset.done $0x0  }
0x5c: {  	s29 =	sadd.s32 $0xFFFFFF00, s19;
	[sflag:s10] =	ssyncadd.s32 $0xFFFFC180  }
0x5d: {  	[spmem:s3] =	stream.indirect.scatter.add.f32 [tilespmem:s1], [sflag:$0x8], $0x80, s29, s30, $0xb8;
	[tilespmem:$0x1E578] =	vst v63  }
0x5e: {  	_ =	swait.ge [sflag:s23], $0x3E80  }
0x5f: {  	[sflag:s23] =	ssyncset.done $0x0  }
0x60: {  	s14 =	sadd.s32 @!p1 $0xFFFFFF00, s20;
	[sflag:s23] =	ssyncadd.s32 $0xFFFFC180  }
0x61: {  	s21 =	sand.u32 @!p1 $0x7C00, s14;
	_ =	swait.ge [sflag:s11], $0x7D  }
0x62: {  	s14 =	sand.u32 @!p1 $0x280, s14;
	s21 =	sadd.s32 @!p1 s5, s21;
	[sflag:s11] =	ssyncset.done $0x0  }
0x63: {  	s14 =	sor.u32 @!p1 s14, s21;
	[sflag:s11] =	ssyncadd.s32 $0xFFFFFF83  }
0x64: {  	[tilespmem:s1], [sflag:$0x2] =	stream.indirect.gather [hbm4b:s0+s30], $0x80, s28, s30, $0xb8;
	[tilespmem:$0x1E578] =	vst v63  }
0x65: {  	s14 =	sshrl.u32 @!p1 s14, $0x3  }
0x66: {  	[spmem:s4] =	stream.indirect.scatter.add.f32 [tilespmem:s9], [sflag:$0x3], $0x1, s29, s30, $0xb8;
	[tilespmem:$0x1E578] =	vst v63  }
0x67: {  	s21 =	simm.s32 @!p1 $0x13B78;
	s14 =	sadd.s32 @!p1 s7, s14  }
0x68: {  	[tilespmem:s21], [sflag:$0x5] =	stream.linear.gather @!p1 [hbm4b:s14+s24], $0x7D, $0x38;
	[tilespmem:$0x1E578] =	vst v63  }
0x69: {  	_ =	swait.ge [sflag:s22], $0x3E80  }
0x6a: {  	[sflag:s22] =	ssyncset.done $0x0  }
0x6b: {  	s14 =	sadd.s32 $0xFFFFFF80, s19;
	[sflag:s22] =	ssyncadd.s32 $0xFFFFC180  }
0x6c: {  	[spmem:s3] =	stream.indirect.scatter.add.f32 [tilespmem:s31], [sflag:$0x8], $0x80, s14, s30, $0xb8;
	[tilespmem:$0x1E578] =	vst v63  }
0x6d: {  	_ =	swait.ge [sflag:s23], $0x3E80  }
0x6e: {  	p2 =	sne.s32 s20, $0x2980;
	[sflag:s23] =	ssyncset.done $0x0  }
0x6f: {  	s21 =	simm.s32 @p2 $0x4;
	[sflag:s23] =	ssyncadd.s32 $0xFFFFC180  }
0x70: {  	_ =	swait.ge @p2 [sflag:s21], $0x7D  }
0x71: {  	s29 =	simm.s32 @p2 $0x164F8;
	[sflag:s21] =	ssyncset.done @p2 $0x0  }
0x72: {  	s24 =	simm.s32 @p2 $0x13AF8;
	[sflag:s21] =	ssyncadd.s32 @p2 $0xFFFFFF83;
	s21 =	simm.s32 @p2 $0x7D  }
0x73: {  	[tilespmem:s29], [sflag:$0x1] =	stream.indirect.gather @p2 [hbm4b:s0+s21], $0x80, s24, s21, $0xb8;
	[tilespmem:$0x1E578] =	vst v63  }
0x74: {  	s24 =	simm.s32 @p2 $0x1E4F8  }
0x75: {  	[spmem:s4] =	stream.indirect.scatter.add.f32 @p2 [tilespmem:s24], [sflag:$0x3], $0x1, s14, s21, $0xb8;
	[tilespmem:$0x1E578] =	vst v63  }
0x76: {  	s21 =	sadd.s32 @p2 $0xFFFFFF80, s20  }
0x77: {  	s24 =	sand.u32 @p2 $0x7C00, s21  }
0x78: {  	s21 =	sand.u32 @p2 $0x300, s21;
	s24 =	sadd.s32 @p2 s5, s24  }
0x79: {  	s21 =	sor.u32 @p2 s21, s24  }
0x7a: {  	s21 =	sshrl.u32 @p2 s21, $0x3  }
0x7b: {  	s29 =	simm.s32 @p2 $0x13BF8;
	s24 =	simm.s32 @p2 $0x0;
	s21 =	sadd.s32 @p2 s7, s21  }
0x7c: {  	[tilespmem:s29], [sflag:$0x6] =	stream.linear.gather @p2 [hbm4b:s21+s24], $0x7D, $0x38;
	[tilespmem:$0x1E578] =	vst v63  }
0x7d: {  	s21 =	simm.s32 @!p2 $0x7D;
	s24 =	simm.s32 @!p2 $0x1E4F8  }
0x7e: {  	[spmem:s4] =	stream.indirect.scatter.add.f32 @!p2 [tilespmem:s24], [sflag:$0x3], $0x1, s14, s21, $0xb8;
	[tilespmem:$0x1E578] =	vst v63  }
0x7f: {  	_ =	swait.ge [sflag:s10], $0x3E80  }
0x80: {  	[sflag:s10] =	ssyncset.done $0x0  }
.Ltmp0:
0x81: {  	[sflag:s10] =	ssyncadd.s32 $0xFFFFC180;
	(pc) =	sbr.rel @p1 .LBB2_4-.Ltmp0, $4  }
0x82: {  	[spmem:s3] =	stream.indirect.scatter.add.f32 [tilespmem:s1], [sflag:$0x8], $0x80, s19, s30, $0xb8;
	[tilespmem:$0x1E578] =	vst v63  }
0x83: {  	_ =	swait.ge [sflag:s23], $0x3E80  }
0x84: {  	[sflag:s23] =	ssyncset.done $0x0  }
0x85: {  	[sflag:s23] =	ssyncadd.s32 $0xFFFFC180  }
0x86: {  	_ =	swait.ge [sflag:s2], $0x7D  }
0x87: {  	s14 =	sand.u32 $0x7C00, s20;
	[sflag:s2] =	ssyncset.done $0x0  }
0x88: {  	s21 =	sand.u32 $0x380, s20;
	s14 =	sadd.s32 s5, s14;
	[sflag:s2] =	ssyncadd.s32 $0xFFFFFF83  }
0x89: {  	[tilespmem:s1], [sflag:$0x2] =	stream.indirect.gather [hbm4b:s0+s30], $0x80, s25, s30, $0xb8;
	[tilespmem:$0x1E578] =	vst v63  }
.Ltmp1:
0x8a: {  	s14 =	sor.u32 s21, s14;
	(pc) =	sbr.rel .LBB2_2-.Ltmp1, $4  }
0x8b: {  	s14 =	sshrl.u32 s14, $0x3  }
0x8c: {  	[spmem:s4] =	stream.indirect.scatter.add.f32 [tilespmem:s9], [sflag:$0x3], $0x1, s19, s30, $0xb8;
	[tilespmem:$0x1E578] =	vst v63  }
0x8d: {  	s20 =	sadd.s32 $0x200, s20;
	s14 =	sadd.s32 s7, s14;
	s19 =	sadd.s32 $0x200, s19  }
0x8e: {  	[tilespmem:s28], [sflag:$0x7] =	stream.linear.gather [hbm4b:s14+s6], $0x7D, $0x38;
	[tilespmem:$0x1E578] =	vst v63  }
.LBB2_4:
0x8f: {  	[spmem:s4] =	stream.indirect.scatter.add.f32 [tilespmem:s9], [sflag:$0x3], $0x1, s19, s30, $0xb8;
	[tilespmem:$0x1E578] =	vst v63  }
0x90: {  	_ =	swait.ge [sflag:s12], $0x7D  }
0x91: {  	s19 =	simm.s32 $0x4F;
	[sflag:s12] =	ssyncset.done $0x0  }
.LBB2_5:
0x92: {  	p1 =	sne.s32 s19, $0x1;
	s19 =	sadd.s32 $0xFFFFFFFF, s19;
	[sflag:s12] =	ssyncadd.s32 $0xFFFFFF83  }
.Ltmp2:
0x93: {  	(pc) =	sbr.rel @p1 .LBB2_5-.Ltmp2, $3  }
0x94: {  	_ =	sdelay $0x1  }
0x95: {  	_ =	swait.ge [sflag:s12], $0x7D  }
0x96: {  	[sflag:s12] =	ssyncset.done $0x0  }
0x97: {  	[sflag:s12] =	ssyncadd.s32 $0xFFFFFF83  }
0x98: {  	[bflag:$0x0] =	sbarrier.arrive $0xFFFF  }
0x99: {  	s14 =	rddreg [dreg:$0xf]  }
0x9a: {  	[hbm:s14], [sflag:s15] =	dma.local [spmem:s18], $0x2700  }
0x9b: {  	_ =	swait.ge [sflag:s23], $0x2700  }
0x9c: {  	s19 =	simm.s32 @!p0 $0x10;
	s14 =	simm.s32 @!p0 $0x1;
	[sflag:s23] =	ssyncset.done $0x0  }
0x9d: {  	s18 =	simm.s32 @!p0 $0x20;
	s20 =	rddreg [dreg:$0x10];
	[sflag:s23] =	ssyncadd.s32 $0xFFFFD900  }
0x9e: {  	[hbm:s20@s18], [sflag:s15] =	dma.strided @!p0 [spmem:s16@s19], $0x4F0, s14, $0x10   }
0x9f: {  	s14 =	simm.s32 @!p0 $0x8  }
0xa0: {  	_ =	swait.ge @!p0 [sflag:s14], $0x4F0  }
0xa1: {  	[sflag:s14] =	ssyncset.done @!p0 $0x0  }
0xa2: {  	s16 =	rddreg [dreg:$0x11];
	[sflag:s14] =	ssyncadd.s32 @!p0 $0xFFFFFB10  }
0xa3: {  	[hbm:s16], [sflag:s15] =	dma.local @!p0 [spmem:s17], $0x100  }
0xa4: {  	_ =	swait.ge @!p0 [sflag:s14], $0x100  }
0xa5: {  	s13 =	sadd.s32 $0x1, s13;
	s29 =	rddreg [dreg:$0x12]  }
0xa6: {  	p1 =	sne.s32 s13, s29  }
.Ltmp3:
0xa7: {  	_ = 	snop;
	(pc) =	sbr.rel @p1 .LBB2_1-.Ltmp3, $3  }
0xa8: {  	_ =	sdelay $0x1  }
0xa9: {  	[sflag:s14] =	ssyncset.done @!p0 $0x0  }
0xaa: {  	[sflag:s14] =	ssyncadd.s32 @!p0 $0xFFFFFF00  }
0xab: {  	_ =	sfence.sel $0x180000  }
0xac: {  	[bflag:$0x0] =	sbarrier.arrive $0xFFFF  }
0xad: {  	_ =	strace $0x90000047  }
0xae: {  	[bflag:$0x2] =	sbarrier.arrive $0xFFFF  }
0xaf: {  	s0 =	rddreg [dreg:$0x4]  }
0xb0: {  	s0 =	sadd.s32 @!p0 $0x100000, s0  }
0xb1: {  	[sflag:s0] =	ssyncadd.tile.s32 @!p0 $0x1;
	_ =	shalt  }
.Lfunc_end2:
_tile_overlayer_lowered:
.L_overlay_start_2:
0xb2: {  	(tag) =	ssettag $0x2  }
0xb3: {  	s0 =	rddreg [dreg:$0x0];
	s2 =	stileid.u32  }
0xb4: {  	s1 =	rddreg [dreg:$0x1];
	p0 =	sne.s32 s2, $0x0  }
0xb5: {  	s3 =	rddreg [dreg:$0x2];
	[bflag:$0x3] =	sbarrier.arrive $0xFFFF;
	s2 =	simm.s32 @!p0 $0x1C08  }
0xb6: {  	[timem:s3], [sflag:s2] =	dma.local @!p0 [hbm:s0], s1  }
0xb7: {  	s0 =	simm.s32 @!p0 $0x8  }
0xb8: {  	_ =	swait.ge @!p0 [sflag:s0], s1  }
0xb9: {  	s1 =	ssub.s32 @!p0 $0x0, s1;
	[sflag:s0] =	ssyncset.done @!p0 $0x0  }
0xba: {  	[sflag:s0] =	ssyncadd.s32 @!p0 s1  }
0xbb: {  	[bflag:$0x3] =	sbarrier.arrive $0xFFFF  }
0xbc: {  	_ =	shalt  }

</sc_bundles>
